<compile_context>
chip_gen: v7x
topology: tpu7x:2x2x1
jax: 0.10.2.dev20260603
libtpu: 0.0.44.dev20260713+nightly
codegen_flags: <defaults>
</compile_context>

<pallas_src>
import functools

import jax
import jax.numpy as jnp
from jax import lax
from jax.experimental import pallas as pl
from jax.experimental.pallas import tpu as pltpu
from jax.experimental.pallas import tpu_sc as plsc

_B = 16384
_D = 128
_NC = 2
_NS = 16
_NW = _NC * _NS
_BPW = _B // _NW
_IW = 128
_IR = _BPW // _IW
_CH = 64
_NCH = _BPW // _CH
_SPLIT = _IW // _CH
_HBM_CH = 1
_V = 1001
_RPT = 64


@functools.cache
def _build_embed_gather():
    mesh = plsc.VectorSubcoreMesh(core_axis_name="c", subcore_axis_name="s")

    @functools.partial(
        pl.kernel,
        mesh=mesh,
        out_type=jax.ShapeDtypeStruct((_B, _D), jnp.float32),
        scratch_types=[
            pltpu.VMEM((_IR, _IW), jnp.int32),
            pltpu.VMEM((_BPW, _D), jnp.float32),
            pltpu.VMEM_SHARED((_V, _D), jnp.float32),
            [pltpu.SemaphoreType.DMA] * _NCH,
            pltpu.SemaphoreType.DMA,
        ],
    )
    def _embed_gather(idx_hbm, table_hbm, out_hbm, idx_v, rows_v, tbl_sh, gsems, wsem):
        sid = lax.axis_index("s")
        wid = sid * _NC + lax.axis_index("c")
        idx_cp = pltpu.async_copy(idx_hbm.at[pl.ds(wid * _IR, _IR)], idx_v, wsem)

        @pl.when(sid < _NS - 1)
        def _stage_main():
            base = pl.multiple_of(sid * _RPT, 8)
            pltpu.sync_copy(
                table_hbm.at[pl.ds(base, _RPT)],
                tbl_sh.at[pl.ds(base, _RPT)],
            )

        @pl.when(sid == _NS - 1)
        def _stage_tail():
            pltpu.sync_copy(
                table_hbm.at[pl.ds((_NS - 1) * _RPT, _V - (_NS - 1) * _RPT)],
                tbl_sh.at[pl.ds((_NS - 1) * _RPT, _V - (_NS - 1) * _RPT)],
            )

        idx_cp.wait()
        gathers = [
            pltpu.async_copy(
                table_hbm.at[idx_v.at[j // _SPLIT, pl.ds((j % _SPLIT) * _CH, _CH)]],
                rows_v.at[pl.ds(j * _CH, _CH)],
                gsems[j],
            )
            for j in range(_HBM_CH)
        ]
        plsc.subcore_barrier()
        gathers += [
            pltpu.async_copy(
                tbl_sh.at[idx_v.at[j // _SPLIT, pl.ds((j % _SPLIT) * _CH, _CH)]],
                rows_v.at[pl.ds(j * _CH, _CH)],
                gsems[j],
            )
            for j in range(_HBM_CH, _NCH)
        ]
        writes = []
        for j in list(range(_HBM_CH, _NCH)) + list(range(_HBM_CH)):
            gathers[j].wait()
            writes.append(
                pltpu.async_copy(
                    rows_v.at[pl.ds(j * _CH, _CH)],
                    out_hbm.at[pl.ds(wid * _BPW + j * _CH, _CH)],
                    wsem,
                )
            )
        for w in writes:
            w.wait()

    return _embed_gather


def kernel(labels, train, embedding_table):
    del train
    idx = labels.astype(jnp.int32).reshape(_NW * _IR, _IW)
    return _build_embed_gather()(idx, embedding_table)

# --- scband reference (transcript-rebuilt; emitter-appended) ---
"""Pipeline reference for scband-label-embedder-7438883357002 (READ-ONLY COPY).

The authoritative reference and input builder live on the scoring server;
editing this copy changes nothing except your own understanding.
"""

import jax, jax.numpy as jnp
import numpy as np

NUM_CLASSES = 1000
HIDDEN_SIZE = 128
DROPOUT_PROB = 0.1
BATCH = 16384


def setup_inputs(seed: int = 0) -> dict:
    key = jax.random.key(seed)
    k1, k2 = jax.random.split(key)
    labels = jax.random.randint(k1, (BATCH,), 0, NUM_CLASSES, dtype=jnp.int64 if jax.config.jax_enable_x64 else jnp.int32)
    # DiT LabelEmbedder: use_cfg_embedding = dropout_prob > 0 -> extra row for the null/CFG class
    use_cfg_embedding = 1 if DROPOUT_PROB > 0 else 0
    embedding_table = jax.random.normal(k2, (NUM_CLASSES + use_cfg_embedding, HIDDEN_SIZE), dtype=jnp.float32) * 0.02
    train = False
    return {"labels": labels, "train": train, "embedding_table": embedding_table}


def token_drop(labels, dropout_prob, num_classes, force_drop_ids=None):
    if force_drop_ids is None:
        drop_ids = jax.random.uniform(jax.random.key(42), (labels.shape[0],)) < dropout_prob
    else:
        drop_ids = force_drop_ids == 1
    return jnp.where(drop_ids, num_classes, labels)


def reference(labels, train, embedding_table):
    use_dropout = DROPOUT_PROB > 0
    force_drop_ids = None
    dropped_labels = token_drop(labels, DROPOUT_PROB, NUM_CLASSES, force_drop_ids)
    do_drop = jnp.logical_and(jnp.asarray(train, dtype=jnp.bool_), use_dropout)
    labels = jnp.where(do_drop, dropped_labels, labels)
    # embedding lookup -> gather (SparseCore-mappable)
    embeddings = jnp.take(embedding_table, labels, axis=0)
    return embeddings

if __name__ == "__main__":
    import jax
    _d = setup_inputs()
    print(jax.jit(kernel)(*tuple(_d.values())))

</pallas_src>

<mosaic_0001>
#map = affine_map<(d0, d1) -> (0, 0)>
module attributes {stable_mosaic.version = 14 : i64} {
  func.func @_embed_gather(%arg0: i32, %arg1: i32, %arg2: memref<128x128xi32, #tpu.memory_space<hbm>>, %arg3: memref<1001x128xf32, #tpu.memory_space<hbm>>, %arg4: memref<16384x128xf32, #tpu.memory_space<hbm>>, %arg5: memref<4x128xi32, #tpu.memory_space<vmem>>, %arg6: memref<512x128xf32, #tpu.memory_space<vmem>>, %arg7: memref<1001x128xf32, #tpu.memory_space<vmem_shared>>, %arg8: memref<!tpu.dma_semaphore, #tpu.memory_space<semaphore_mem>>, %arg9: memref<!tpu.dma_semaphore, #tpu.memory_space<semaphore_mem>>, %arg10: memref<!tpu.dma_semaphore, #tpu.memory_space<semaphore_mem>>, %arg11: memref<!tpu.dma_semaphore, #tpu.memory_space<semaphore_mem>>, %arg12: memref<!tpu.dma_semaphore, #tpu.memory_space<semaphore_mem>>, %arg13: memref<!tpu.dma_semaphore, #tpu.memory_space<semaphore_mem>>, %arg14: memref<!tpu.dma_semaphore, #tpu.memory_space<semaphore_mem>>, %arg15: memref<!tpu.dma_semaphore, #tpu.memory_space<semaphore_mem>>, %arg16: memref<!tpu.dma_semaphore, #tpu.memory_space<semaphore_mem>>) attributes {dimension_semantics = [#tpu.dimension_semantics<core_parallel>, #tpu.dimension_semantics<subcore_parallel>], iteration_bounds = array<i64: 2, 16>, scalar_prefetch = 0 : i64, scratch_operands = 12 : i64, tpu.core_type = #tpu.core_type<sc_vector_subcore>, window_params = [{transform_indices = #map}, {transform_indices = #map}, {transform_indices = #map}]} {
    %mul3A = arith.constant 2 : i32
    %mul3A_0 = arith.muli %arg1, %mul3A : i32
    %add3A = arith.addi %mul3A_0, %arg0 : i32
    %mul3A_1 = arith.constant 4 : i32
    %mul3A_2 = arith.muli %add3A, %mul3A_1 : i32
    %dma_start3A = arith.constant 0 : i32
    %dma_start3A_3 = tpu.memref_slice %arg2[%mul3A_2, %dma_start3A] : memref<128x128xi32, #tpu.memory_space<hbm>> -> memref<4x128xi32, #tpu.memory_space<hbm>>
    %dma_start3A_4 = arith.constant 0 : i32
    %dma_start3A_5 = tpu.memref_slice %arg2[%mul3A_2, %dma_start3A_4] : memref<128x128xi32, #tpu.memory_space<hbm>> -> memref<4x128xi32, #tpu.memory_space<hbm>>
    tpu.enqueue_dma source(%dma_start3A_5 : memref<4x128xi32, #tpu.memory_space<hbm>>) target(%arg5 : memref<4x128xi32, #tpu.memory_space<vmem>>) target_semaphore(%arg16 : memref<!tpu.dma_semaphore, #tpu.memory_space<semaphore_mem>>)
    %lt3A = arith.constant 15 : i32
    %lt3A_6 = arith.cmpi slt, %arg1, %lt3A : i32
    %convert_element_type3A = arith.extui %lt3A_6 : i1 to i32
    %cond3A = arith.constant 0 : i32
    %cond3A_7 = arith.cmpi ne, %convert_element_type3A, %cond3A : i32
    scf.if %cond3A_7 {
      %mul3A_367 = arith.constant 64 : i32
      %mul3A_368 = arith.muli %arg1, %mul3A_367 : i32
      %multiple_of3A = tpu.assume_multiple %mul3A_368, 8 : i32
      "tpu.region"() ({
        %run_scoped3A = tpu.sem_alloc : memref<!tpu.dma_semaphore, #tpu.memory_space<semaphore_mem>>
        %dma_start3A_369 = arith.constant 0 : i32
        %dma_start3A_370 = tpu.memref_slice %arg7[%multiple_of3A, %dma_start3A_369] : memref<1001x128xf32, #tpu.memory_space<vmem_shared>> -> memref<64x128xf32, #tpu.memory_space<vmem_shared>>
        %dma_start3A_371 = arith.constant 0 : i32
        %dma_start3A_372 = tpu.memref_slice %arg3[%multiple_of3A, %dma_start3A_371] : memref<1001x128xf32, #tpu.memory_space<hbm>> -> memref<64x128xf32, #tpu.memory_space<hbm>>
        tpu.enqueue_dma source(%dma_start3A_372 : memref<64x128xf32, #tpu.memory_space<hbm>>) target(%dma_start3A_370 : memref<64x128xf32, #tpu.memory_space<vmem_shared>>) target_semaphore(%run_scoped3A : memref<!tpu.dma_semaphore, #tpu.memory_space<semaphore_mem>>)
        %dma_wait3A_373 = arith.constant 0 : i32
        %dma_wait3A_374 = tpu.memref_slice %arg7[%multiple_of3A, %dma_wait3A_373] : memref<1001x128xf32, #tpu.memory_space<vmem_shared>> -> memref<64x128xf32, #tpu.memory_space<vmem_shared>>
        %dma_wait3A_375 = arith.constant 0 : i32
        %dma_wait3A_376 = tpu.memref_slice %arg3[%multiple_of3A, %dma_wait3A_375] : memref<1001x128xf32, #tpu.memory_space<hbm>> -> memref<64x128xf32, #tpu.memory_space<hbm>>
        tpu.wait_dma2 semaphore(%run_scoped3A : memref<!tpu.dma_semaphore, #tpu.memory_space<semaphore_mem>>) src(%dma_wait3A_376 : memref<64x128xf32, #tpu.memory_space<hbm>>) dst(%dma_wait3A_374 : memref<64x128xf32, #tpu.memory_space<vmem_shared>>)
        tpu.yield
      }) : () -> ()
    } else {
    }
    %eq3A = arith.constant 15 : i32
    %eq3A_8 = arith.cmpi eq, %arg1, %eq3A : i32
    %convert_element_type3A_9 = arith.extui %eq3A_8 : i1 to i32
    %cond3A_10 = arith.constant 0 : i32
    %cond3A_11 = arith.cmpi ne, %convert_element_type3A_9, %cond3A_10 : i32
    scf.if %cond3A_11 {
      "tpu.region"() ({
        %run_scoped3A = tpu.sem_alloc : memref<!tpu.dma_semaphore, #tpu.memory_space<semaphore_mem>>
        %dma_start3A_367 = arith.constant 960 : i32
        %dma_start3A_368 = arith.constant 0 : i32
        %dma_start3A_369 = tpu.memref_slice %arg7[%dma_start3A_367, %dma_start3A_368] : memref<1001x128xf32, #tpu.memory_space<vmem_shared>> -> memref<41x128xf32, #tpu.memory_space<vmem_shared>>
        %dma_start3A_370 = arith.constant 960 : i32
        %dma_start3A_371 = arith.constant 0 : i32
        %dma_start3A_372 = tpu.memref_slice %arg3[%dma_start3A_370, %dma_start3A_371] : memref<1001x128xf32, #tpu.memory_space<hbm>> -> memref<41x128xf32, #tpu.memory_space<hbm>>
        tpu.enqueue_dma source(%dma_start3A_372 : memref<41x128xf32, #tpu.memory_space<hbm>>) target(%dma_start3A_369 : memref<41x128xf32, #tpu.memory_space<vmem_shared>>) target_semaphore(%run_scoped3A : memref<!tpu.dma_semaphore, #tpu.memory_space<semaphore_mem>>)
        %dma_wait3A_373 = arith.constant 960 : i32
        %dma_wait3A_374 = arith.constant 0 : i32
        %dma_wait3A_375 = tpu.memref_slice %arg7[%dma_wait3A_373, %dma_wait3A_374] : memref<1001x128xf32, #tpu.memory_space<vmem_shared>> -> memref<41x128xf32, #tpu.memory_space<vmem_shared>>
        %dma_wait3A_376 = arith.constant 960 : i32
        %dma_wait3A_377 = arith.constant 0 : i32
        %dma_wait3A_378 = tpu.memref_slice %arg3[%dma_wait3A_376, %dma_wait3A_377] : memref<1001x128xf32, #tpu.memory_space<hbm>> -> memref<41x128xf32, #tpu.memory_space<hbm>>
        tpu.wait_dma2 semaphore(%run_scoped3A : memref<!tpu.dma_semaphore, #tpu.memory_space<semaphore_mem>>) src(%dma_wait3A_378 : memref<41x128xf32, #tpu.memory_space<hbm>>) dst(%dma_wait3A_375 : memref<41x128xf32, #tpu.memory_space<vmem_shared>>)
        tpu.yield
      }) : () -> ()
    } else {
    }
    %dma_wait3A = arith.constant 0 : i32
    %dma_wait3A_12 = tpu.memref_slice %arg2[%mul3A_2, %dma_wait3A] : memref<128x128xi32, #tpu.memory_space<hbm>> -> memref<4x128xi32, #tpu.memory_space<hbm>>
    %dma_wait3A_13 = arith.constant 0 : i32
    %dma_wait3A_14 = tpu.memref_slice %arg2[%mul3A_2, %dma_wait3A_13] : memref<128x128xi32, #tpu.memory_space<hbm>> -> memref<4x128xi32, #tpu.memory_space<hbm>>
    tpu.wait_dma2 semaphore(%arg16 : memref<!tpu.dma_semaphore, #tpu.memory_space<semaphore_mem>>) src(%dma_wait3A_14 : memref<4x128xi32, #tpu.memory_space<hbm>>) dst(%arg5 : memref<4x128xi32, #tpu.memory_space<vmem>>)
    %dma_start3A_15 = arith.constant 0 : i32
    %dma_start3A_16 = arith.constant 0 : i32
    %dma_start3A_17 = arith.constant 0 : i32
    %dma_start3A_18 = tpu.memref_slice %arg6[%dma_start3A_16, %dma_start3A_17] : memref<512x128xf32, #tpu.memory_space<vmem>> -> memref<64x128xf32, #tpu.memory_space<vmem>>
    %dma_start3A_19 = arith.constant 0 : i32
    %dma_start3A_20 = tpu.memref_slice %arg5[%dma_start3A_15, %dma_start3A_19] : memref<4x128xi32, #tpu.memory_space<vmem>> -> memref<1x64xi32, #tpu.memory_space<vmem>>
    %dma_start3A_21 = tpu.memref_squeeze %dma_start3A_20 : memref<1x64xi32, #tpu.memory_space<vmem>> -> memref<64xi32, #tpu.memory_space<vmem>>
    %dma_start3A_22 = arith.constant 0 : i32
    %dma_start3A_23 = arith.constant 0 : i32
    %dma_start3A_24 = tpu.memref_slice %arg3[%dma_start3A_22, %dma_start3A_23] : memref<1001x128xf32, #tpu.memory_space<hbm>> -> memref<1001x128xf32, #tpu.memory_space<hbm>>
    tpu.enqueue_indirect_dma source(%dma_start3A_24 : memref<1001x128xf32, #tpu.memory_space<hbm>>) target(%dma_start3A_18 : memref<64x128xf32, #tpu.memory_space<vmem>>) offsets(%dma_start3A_21 : memref<64xi32, #tpu.memory_space<vmem>>) semaphore(%arg8 : memref<!tpu.dma_semaphore, #tpu.memory_space<semaphore_mem>>)
    %barrier3A = arith.constant 0 : index
    tpu.barrier barrier_id(%barrier3A)
    %dma_start3A_25 = arith.constant 0 : i32
    %dma_start3A_26 = arith.constant 64 : i32
    %dma_start3A_27 = arith.constant 0 : i32
    %dma_start3A_28 = tpu.memref_slice %arg6[%dma_start3A_26, %dma_start3A_27] : memref<512x128xf32, #tpu.memory_space<vmem>> -> memref<64x128xf32, #tpu.memory_space<vmem>>
    %dma_start3A_29 = arith.constant 64 : i32
    %dma_start3A_30 = tpu.memref_slice %arg5[%dma_start3A_25, %dma_start3A_29] : memref<4x128xi32, #tpu.memory_space<vmem>> -> memref<1x64xi32, #tpu.memory_space<vmem>>
    %dma_start3A_31 = tpu.memref_squeeze %dma_start3A_30 : memref<1x64xi32, #tpu.memory_space<vmem>> -> memref<64xi32, #tpu.memory_space<vmem>>
    %dma_start3A_32 = arith.constant 0 : i32
    %dma_start3A_33 = arith.constant 0 : i32
    %dma_start3A_34 = tpu.memref_slice %arg7[%dma_start3A_32, %dma_start3A_33] : memref<1001x128xf32, #tpu.memory_space<vmem_shared>> -> memref<1001x128xf32, #tpu.memory_space<vmem_shared>>
    tpu.enqueue_indirect_dma source(%dma_start3A_34 : memref<1001x128xf32, #tpu.memory_space<vmem_shared>>) target(%dma_start3A_28 : memref<64x128xf32, #tpu.memory_space<vmem>>) offsets(%dma_start3A_31 : memref<64xi32, #tpu.memory_space<vmem>>) semaphore(%arg9 : memref<!tpu.dma_semaphore, #tpu.memory_space<semaphore_mem>>)
    %dma_start3A_35 = arith.constant 1 : i32
    %dma_start3A_36 = arith.constant 128 : i32
    %dma_start3A_37 = arith.constant 0 : i32
    %dma_start3A_38 = tpu.memref_slice %arg6[%dma_start3A_36, %dma_start3A_37] : memref<512x128xf32, #tpu.memory_space<vmem>> -> memref<64x128xf32, #tpu.memory_space<vmem>>
    %dma_start3A_39 = arith.constant 0 : i32
    %dma_start3A_40 = tpu.memref_slice %arg5[%dma_start3A_35, %dma_start3A_39] : memref<4x128xi32, #tpu.memory_space<vmem>> -> memref<1x64xi32, #tpu.memory_space<vmem>>
    %dma_start3A_41 = tpu.memref_squeeze %dma_start3A_40 : memref<1x64xi32, #tpu.memory_space<vmem>> -> memref<64xi32, #tpu.memory_space<vmem>>
    %dma_start3A_42 = arith.constant 0 : i32
    %dma_start3A_43 = arith.constant 0 : i32
    %dma_start3A_44 = tpu.memref_slice %arg7[%dma_start3A_42, %dma_start3A_43] : memref<1001x128xf32, #tpu.memory_space<vmem_shared>> -> memref<1001x128xf32, #tpu.memory_space<vmem_shared>>
    tpu.enqueue_indirect_dma source(%dma_start3A_44 : memref<1001x128xf32, #tpu.memory_space<vmem_shared>>) target(%dma_start3A_38 : memref<64x128xf32, #tpu.memory_space<vmem>>) offsets(%dma_start3A_41 : memref<64xi32, #tpu.memory_space<vmem>>) semaphore(%arg10 : memref<!tpu.dma_semaphore, #tpu.memory_space<semaphore_mem>>)
    %dma_start3A_45 = arith.constant 1 : i32
    %dma_start3A_46 = arith.constant 192 : i32
    %dma_start3A_47 = arith.constant 0 : i32
    %dma_start3A_48 = tpu.memref_slice %arg6[%dma_start3A_46, %dma_start3A_47] : memref<512x128xf32, #tpu.memory_space<vmem>> -> memref<64x128xf32, #tpu.memory_space<vmem>>
    %dma_start3A_49 = arith.constant 64 : i32
    %dma_start3A_50 = tpu.memref_slice %arg5[%dma_start3A_45, %dma_start3A_49] : memref<4x128xi32, #tpu.memory_space<vmem>> -> memref<1x64xi32, #tpu.memory_space<vmem>>
    %dma_start3A_51 = tpu.memref_squeeze %dma_start3A_50 : memref<1x64xi32, #tpu.memory_space<vmem>> -> memref<64xi32, #tpu.memory_space<vmem>>
    %dma_start3A_52 = arith.constant 0 : i32
    %dma_start3A_53 = arith.constant 0 : i32
    %dma_start3A_54 = tpu.memref_slice %arg7[%dma_start3A_52, %dma_start3A_53] : memref<1001x128xf32, #tpu.memory_space<vmem_shared>> -> memref<1001x128xf32, #tpu.memory_space<vmem_shared>>
    tpu.enqueue_indirect_dma source(%dma_start3A_54 : memref<1001x128xf32, #tpu.memory_space<vmem_shared>>) target(%dma_start3A_48 : memref<64x128xf32, #tpu.memory_space<vmem>>) offsets(%dma_start3A_51 : memref<64xi32, #tpu.memory_space<vmem>>) semaphore(%arg11 : memref<!tpu.dma_semaphore, #tpu.memory_space<semaphore_mem>>)
    %dma_start3A_55 = arith.constant 2 : i32
    %dma_start3A_56 = arith.constant 256 : i32
    %dma_start3A_57 = arith.constant 0 : i32
    %dma_start3A_58 = tpu.memref_slice %arg6[%dma_start3A_56, %dma_start3A_57] : memref<512x128xf32, #tpu.memory_space<vmem>> -> memref<64x128xf32, #tpu.memory_space<vmem>>
    %dma_start3A_59 = arith.constant 0 : i32
    %dma_start3A_60 = tpu.memref_slice %arg5[%dma_start3A_55, %dma_start3A_59] : memref<4x128xi32, #tpu.memory_space<vmem>> -> memref<1x64xi32, #tpu.memory_space<vmem>>
    %dma_start3A_61 = tpu.memref_squeeze %dma_start3A_60 : memref<1x64xi32, #tpu.memory_space<vmem>> -> memref<64xi32, #tpu.memory_space<vmem>>
    %dma_start3A_62 = arith.constant 0 : i32
    %dma_start3A_63 = arith.constant 0 : i32
    %dma_start3A_64 = tpu.memref_slice %arg7[%dma_start3A_62, %dma_start3A_63] : memref<1001x128xf32, #tpu.memory_space<vmem_shared>> -> memref<1001x128xf32, #tpu.memory_space<vmem_shared>>
    tpu.enqueue_indirect_dma source(%dma_start3A_64 : memref<1001x128xf32, #tpu.memory_space<vmem_shared>>) target(%dma_start3A_58 : memref<64x128xf32, #tpu.memory_space<vmem>>) offsets(%dma_start3A_61 : memref<64xi32, #tpu.memory_space<vmem>>) semaphore(%arg12 : memref<!tpu.dma_semaphore, #tpu.memory_space<semaphore_mem>>)
    %dma_start3A_65 = arith.constant 2 : i32
    %dma_start3A_66 = arith.constant 320 : i32
    %dma_start3A_67 = arith.constant 0 : i32
    %dma_start3A_68 = tpu.memref_slice %arg6[%dma_start3A_66, %dma_start3A_67] : memref<512x128xf32, #tpu.memory_space<vmem>> -> memref<64x128xf32, #tpu.memory_space<vmem>>
    %dma_start3A_69 = arith.constant 64 : i32
    %dma_start3A_70 = tpu.memref_slice %arg5[%dma_start3A_65, %dma_start3A_69] : memref<4x128xi32, #tpu.memory_space<vmem>> -> memref<1x64xi32, #tpu.memory_space<vmem>>
    %dma_start3A_71 = tpu.memref_squeeze %dma_start3A_70 : memref<1x64xi32, #tpu.memory_space<vmem>> -> memref<64xi32, #tpu.memory_space<vmem>>
    %dma_start3A_72 = arith.constant 0 : i32
    %dma_start3A_73 = arith.constant 0 : i32
    %dma_start3A_74 = tpu.memref_slice %arg7[%dma_start3A_72, %dma_start3A_73] : memref<1001x128xf32, #tpu.memory_space<vmem_shared>> -> memref<1001x128xf32, #tpu.memory_space<vmem_shared>>
    tpu.enqueue_indirect_dma source(%dma_start3A_74 : memref<1001x128xf32, #tpu.memory_space<vmem_shared>>) target(%dma_start3A_68 : memref<64x128xf32, #tpu.memory_space<vmem>>) offsets(%dma_start3A_71 : memref<64xi32, #tpu.memory_space<vmem>>) semaphore(%arg13 : memref<!tpu.dma_semaphore, #tpu.memory_space<semaphore_mem>>)
    %dma_start3A_75 = arith.constant 3 : i32
    %dma_start3A_76 = arith.constant 384 : i32
    %dma_start3A_77 = arith.constant 0 : i32
    %dma_start3A_78 = tpu.memref_slice %arg6[%dma_start3A_76, %dma_start3A_77] : memref<512x128xf32, #tpu.memory_space<vmem>> -> memref<64x128xf32, #tpu.memory_space<vmem>>
    %dma_start3A_79 = arith.constant 0 : i32
    %dma_start3A_80 = tpu.memref_slice %arg5[%dma_start3A_75, %dma_start3A_79] : memref<4x128xi32, #tpu.memory_space<vmem>> -> memref<1x64xi32, #tpu.memory_space<vmem>>
    %dma_start3A_81 = tpu.memref_squeeze %dma_start3A_80 : memref<1x64xi32, #tpu.memory_space<vmem>> -> memref<64xi32, #tpu.memory_space<vmem>>
    %dma_start3A_82 = arith.constant 0 : i32
    %dma_start3A_83 = arith.constant 0 : i32
    %dma_start3A_84 = tpu.memref_slice %arg7[%dma_start3A_82, %dma_start3A_83] : memref<1001x128xf32, #tpu.memory_space<vmem_shared>> -> memref<1001x128xf32, #tpu.memory_space<vmem_shared>>
    tpu.enqueue_indirect_dma source(%dma_start3A_84 : memref<1001x128xf32, #tpu.memory_space<vmem_shared>>) target(%dma_start3A_78 : memref<64x128xf32, #tpu.memory_space<vmem>>) offsets(%dma_start3A_81 : memref<64xi32, #tpu.memory_space<vmem>>) semaphore(%arg14 : memref<!tpu.dma_semaphore, #tpu.memory_space<semaphore_mem>>)
    %dma_start3A_85 = arith.constant 3 : i32
    %dma_start3A_86 = arith.constant 448 : i32
    %dma_start3A_87 = arith.constant 0 : i32
    %dma_start3A_88 = tpu.memref_slice %arg6[%dma_start3A_86, %dma_start3A_87] : memref<512x128xf32, #tpu.memory_space<vmem>> -> memref<64x128xf32, #tpu.memory_space<vmem>>
    %dma_start3A_89 = arith.constant 64 : i32
    %dma_start3A_90 = tpu.memref_slice %arg5[%dma_start3A_85, %dma_start3A_89] : memref<4x128xi32, #tpu.memory_space<vmem>> -> memref<1x64xi32, #tpu.memory_space<vmem>>
    %dma_start3A_91 = tpu.memref_squeeze %dma_start3A_90 : memref<1x64xi32, #tpu.memory_space<vmem>> -> memref<64xi32, #tpu.memory_space<vmem>>
    %dma_start3A_92 = arith.constant 0 : i32
    %dma_start3A_93 = arith.constant 0 : i32
    %dma_start3A_94 = tpu.memref_slice %arg7[%dma_start3A_92, %dma_start3A_93] : memref<1001x128xf32, #tpu.memory_space<vmem_shared>> -> memref<1001x128xf32, #tpu.memory_space<vmem_shared>>
    tpu.enqueue_indirect_dma source(%dma_start3A_94 : memref<1001x128xf32, #tpu.memory_space<vmem_shared>>) target(%dma_start3A_88 : memref<64x128xf32, #tpu.memory_space<vmem>>) offsets(%dma_start3A_91 : memref<64xi32, #tpu.memory_space<vmem>>) semaphore(%arg15 : memref<!tpu.dma_semaphore, #tpu.memory_space<semaphore_mem>>)
    %dma_wait3A_95 = arith.constant 0 : i32
    %dma_wait3A_96 = arith.constant 64 : i32
    %dma_wait3A_97 = arith.constant 0 : i32
    %dma_wait3A_98 = tpu.memref_slice %arg6[%dma_wait3A_96, %dma_wait3A_97] : memref<512x128xf32, #tpu.memory_space<vmem>> -> memref<64x128xf32, #tpu.memory_space<vmem>>
    %dma_wait3A_99 = arith.constant 64 : i32
    %dma_wait3A_100 = tpu.memref_slice %arg5[%dma_wait3A_95, %dma_wait3A_99] : memref<4x128xi32, #tpu.memory_space<vmem>> -> memref<1x64xi32, #tpu.memory_space<vmem>>
    %dma_wait3A_101 = tpu.memref_squeeze %dma_wait3A_100 : memref<1x64xi32, #tpu.memory_space<vmem>> -> memref<64xi32, #tpu.memory_space<vmem>>
    %dma_wait3A_102 = arith.constant 0 : i32
    %dma_wait3A_103 = arith.constant 0 : i32
    %dma_wait3A_104 = tpu.memref_slice %arg7[%dma_wait3A_102, %dma_wait3A_103] : memref<1001x128xf32, #tpu.memory_space<vmem_shared>> -> memref<1001x128xf32, #tpu.memory_space<vmem_shared>>
    tpu.wait_indirect_dma semaphore(%arg9 : memref<!tpu.dma_semaphore, #tpu.memory_space<semaphore_mem>>) src(%dma_wait3A_104 : memref<1001x128xf32, #tpu.memory_space<vmem_shared>>) dst(%dma_wait3A_98 : memref<64x128xf32, #tpu.memory_space<vmem>>)
    %mul3A_105 = arith.constant 512 : i32
    %mul3A_106 = arith.muli %add3A, %mul3A_105 : i32
    %add3A_107 = arith.constant 64 : i32
    %add3A_108 = arith.addi %mul3A_106, %add3A_107 : i32
    %dma_start3A_109 = arith.constant 64 : i32
    %dma_start3A_110 = arith.constant 0 : i32
    %dma_start3A_111 = tpu.memref_slice %arg6[%dma_start3A_109, %dma_start3A_110] : memref<512x128xf32, #tpu.memory_space<vmem>> -> memref<64x128xf32, #tpu.memory_space<vmem>>
    %dma_start3A_112 = arith.constant 0 : i32
    %dma_start3A_113 = tpu.memref_slice %arg4[%add3A_108, %dma_start3A_112] : memref<16384x128xf32, #tpu.memory_space<hbm>> -> memref<64x128xf32, #tpu.memory_space<hbm>>
    %dma_start3A_114 = arith.constant 0 : i32
    %dma_start3A_115 = tpu.memref_slice %arg4[%add3A_108, %dma_start3A_114] : memref<16384x128xf32, #tpu.memory_space<hbm>> -> memref<64x128xf32, #tpu.memory_space<hbm>>
    %dma_start3A_116 = arith.constant 64 : i32
    %dma_start3A_117 = arith.constant 0 : i32
    %dma_start3A_118 = tpu.memref_slice %arg6[%dma_start3A_116, %dma_start3A_117] : memref<512x128xf32, #tpu.memory_space<vmem>> -> memref<64x128xf32, #tpu.memory_space<vmem>>
    tpu.enqueue_dma source(%dma_start3A_118 : memref<64x128xf32, #tpu.memory_space<vmem>>) target(%dma_start3A_115 : memref<64x128xf32, #tpu.memory_space<hbm>>) target_semaphore(%arg16 : memref<!tpu.dma_semaphore, #tpu.memory_space<semaphore_mem>>)
    %dma_wait3A_119 = arith.constant 1 : i32
    %dma_wait3A_120 = arith.constant 128 : i32
    %dma_wait3A_121 = arith.constant 0 : i32
    %dma_wait3A_122 = tpu.memref_slice %arg6[%dma_wait3A_120, %dma_wait3A_121] : memref<512x128xf32, #tpu.memory_space<vmem>> -> memref<64x128xf32, #tpu.memory_space<vmem>>
    %dma_wait3A_123 = arith.constant 0 : i32
    %dma_wait3A_124 = tpu.memref_slice %arg5[%dma_wait3A_119, %dma_wait3A_123] : memref<4x128xi32, #tpu.memory_space<vmem>> -> memref<1x64xi32, #tpu.memory_space<vmem>>
    %dma_wait3A_125 = tpu.memref_squeeze %dma_wait3A_124 : memref<1x64xi32, #tpu.memory_space<vmem>> -> memref<64xi32, #tpu.memory_space<vmem>>
    %dma_wait3A_126 = arith.constant 0 : i32
    %dma_wait3A_127 = arith.constant 0 : i32
    %dma_wait3A_128 = tpu.memref_slice %arg7[%dma_wait3A_126, %dma_wait3A_127] : memref<1001x128xf32, #tpu.memory_space<vmem_shared>> -> memref<1001x128xf32, #tpu.memory_space<vmem_shared>>
    tpu.wait_indirect_dma semaphore(%arg10 : memref<!tpu.dma_semaphore, #tpu.memory_space<semaphore_mem>>) src(%dma_wait3A_128 : memref<1001x128xf32, #tpu.memory_space<vmem_shared>>) dst(%dma_wait3A_122 : memref<64x128xf32, #tpu.memory_space<vmem>>)
    %mul3A_129 = arith.constant 512 : i32
    %mul3A_130 = arith.muli %add3A, %mul3A_129 : i32
    %add3A_131 = arith.constant 128 : i32
    %add3A_132 = arith.addi %mul3A_130, %add3A_131 : i32
    %dma_start3A_133 = arith.constant 128 : i32
    %dma_start3A_134 = arith.constant 0 : i32
    %dma_start3A_135 = tpu.memref_slice %arg6[%dma_start3A_133, %dma_start3A_134] : memref<512x128xf32, #tpu.memory_space<vmem>> -> memref<64x128xf32, #tpu.memory_space<vmem>>
    %dma_start3A_136 = arith.constant 0 : i32
    %dma_start3A_137 = tpu.memref_slice %arg4[%add3A_132, %dma_start3A_136] : memref<16384x128xf32, #tpu.memory_space<hbm>> -> memref<64x128xf32, #tpu.memory_space<hbm>>
    %dma_start3A_138 = arith.constant 0 : i32
    %dma_start3A_139 = tpu.memref_slice %arg4[%add3A_132, %dma_start3A_138] : memref<16384x128xf32, #tpu.memory_space<hbm>> -> memref<64x128xf32, #tpu.memory_space<hbm>>
    %dma_start3A_140 = arith.constant 128 : i32
    %dma_start3A_141 = arith.constant 0 : i32
    %dma_start3A_142 = tpu.memref_slice %arg6[%dma_start3A_140, %dma_start3A_141] : memref<512x128xf32, #tpu.memory_space<vmem>> -> memref<64x128xf32, #tpu.memory_space<vmem>>
    tpu.enqueue_dma source(%dma_start3A_142 : memref<64x128xf32, #tpu.memory_space<vmem>>) target(%dma_start3A_139 : memref<64x128xf32, #tpu.memory_space<hbm>>) target_semaphore(%arg16 : memref<!tpu.dma_semaphore, #tpu.memory_space<semaphore_mem>>)
    %dma_wait3A_143 = arith.constant 1 : i32
    %dma_wait3A_144 = arith.constant 192 : i32
    %dma_wait3A_145 = arith.constant 0 : i32
    %dma_wait3A_146 = tpu.memref_slice %arg6[%dma_wait3A_144, %dma_wait3A_145] : memref<512x128xf32, #tpu.memory_space<vmem>> -> memref<64x128xf32, #tpu.memory_space<vmem>>
    %dma_wait3A_147 = arith.constant 64 : i32
    %dma_wait3A_148 = tpu.memref_slice %arg5[%dma_wait3A_143, %dma_wait3A_147] : memref<4x128xi32, #tpu.memory_space<vmem>> -> memref<1x64xi32, #tpu.memory_space<vmem>>
    %dma_wait3A_149 = tpu.memref_squeeze %dma_wait3A_148 : memref<1x64xi32, #tpu.memory_space<vmem>> -> memref<64xi32, #tpu.memory_space<vmem>>
    %dma_wait3A_150 = arith.constant 0 : i32
    %dma_wait3A_151 = arith.constant 0 : i32
    %dma_wait3A_152 = tpu.memref_slice %arg7[%dma_wait3A_150, %dma_wait3A_151] : memref<1001x128xf32, #tpu.memory_space<vmem_shared>> -> memref<1001x128xf32, #tpu.memory_space<vmem_shared>>
    tpu.wait_indirect_dma semaphore(%arg11 : memref<!tpu.dma_semaphore, #tpu.memory_space<semaphore_mem>>) src(%dma_wait3A_152 : memref<1001x128xf32, #tpu.memory_space<vmem_shared>>) dst(%dma_wait3A_146 : memref<64x128xf32, #tpu.memory_space<vmem>>)
    %mul3A_153 = arith.constant 512 : i32
    %mul3A_154 = arith.muli %add3A, %mul3A_153 : i32
    %add3A_155 = arith.constant 192 : i32
    %add3A_156 = arith.addi %mul3A_154, %add3A_155 : i32
    %dma_start3A_157 = arith.constant 192 : i32
    %dma_start3A_158 = arith.constant 0 : i32
    %dma_start3A_159 = tpu.memref_slice %arg6[%dma_start3A_157, %dma_start3A_158] : memref<512x128xf32, #tpu.memory_space<vmem>> -> memref<64x128xf32, #tpu.memory_space<vmem>>
    %dma_start3A_160 = arith.constant 0 : i32
    %dma_start3A_161 = tpu.memref_slice %arg4[%add3A_156, %dma_start3A_160] : memref<16384x128xf32, #tpu.memory_space<hbm>> -> memref<64x128xf32, #tpu.memory_space<hbm>>
    %dma_start3A_162 = arith.constant 0 : i32
    %dma_start3A_163 = tpu.memref_slice %arg4[%add3A_156, %dma_start3A_162] : memref<16384x128xf32, #tpu.memory_space<hbm>> -> memref<64x128xf32, #tpu.memory_space<hbm>>
    %dma_start3A_164 = arith.constant 192 : i32
    %dma_start3A_165 = arith.constant 0 : i32
    %dma_start3A_166 = tpu.memref_slice %arg6[%dma_start3A_164, %dma_start3A_165] : memref<512x128xf32, #tpu.memory_space<vmem>> -> memref<64x128xf32, #tpu.memory_space<vmem>>
    tpu.enqueue_dma source(%dma_start3A_166 : memref<64x128xf32, #tpu.memory_space<vmem>>) target(%dma_start3A_163 : memref<64x128xf32, #tpu.memory_space<hbm>>) target_semaphore(%arg16 : memref<!tpu.dma_semaphore, #tpu.memory_space<semaphore_mem>>)
    %dma_wait3A_167 = arith.constant 2 : i32
    %dma_wait3A_168 = arith.constant 256 : i32
    %dma_wait3A_169 = arith.constant 0 : i32
    %dma_wait3A_170 = tpu.memref_slice %arg6[%dma_wait3A_168, %dma_wait3A_169] : memref<512x128xf32, #tpu.memory_space<vmem>> -> memref<64x128xf32, #tpu.memory_space<vmem>>
    %dma_wait3A_171 = arith.constant 0 : i32
    %dma_wait3A_172 = tpu.memref_slice %arg5[%dma_wait3A_167, %dma_wait3A_171] : memref<4x128xi32, #tpu.memory_space<vmem>> -> memref<1x64xi32, #tpu.memory_space<vmem>>
    %dma_wait3A_173 = tpu.memref_squeeze %dma_wait3A_172 : memref<1x64xi32, #tpu.memory_space<vmem>> -> memref<64xi32, #tpu.memory_space<vmem>>
    %dma_wait3A_174 = arith.constant 0 : i32
    %dma_wait3A_175 = arith.constant 0 : i32
    %dma_wait3A_176 = tpu.memref_slice %arg7[%dma_wait3A_174, %dma_wait3A_175] : memref<1001x128xf32, #tpu.memory_space<vmem_shared>> -> memref<1001x128xf32, #tpu.memory_space<vmem_shared>>
    tpu.wait_indirect_dma semaphore(%arg12 : memref<!tpu.dma_semaphore, #tpu.memory_space<semaphore_mem>>) src(%dma_wait3A_176 : memref<1001x128xf32, #tpu.memory_space<vmem_shared>>) dst(%dma_wait3A_170 : memref<64x128xf32, #tpu.memory_space<vmem>>)
    %mul3A_177 = arith.constant 512 : i32
    %mul3A_178 = arith.muli %add3A, %mul3A_177 : i32
    %add3A_179 = arith.constant 256 : i32
    %add3A_180 = arith.addi %mul3A_178, %add3A_179 : i32
    %dma_start3A_181 = arith.constant 256 : i32
    %dma_start3A_182 = arith.constant 0 : i32
    %dma_start3A_183 = tpu.memref_slice %arg6[%dma_start3A_181, %dma_start3A_182] : memref<512x128xf32, #tpu.memory_space<vmem>> -> memref<64x128xf32, #tpu.memory_space<vmem>>
    %dma_start3A_184 = arith.constant 0 : i32
    %dma_start3A_185 = tpu.memref_slice %arg4[%add3A_180, %dma_start3A_184] : memref<16384x128xf32, #tpu.memory_space<hbm>> -> memref<64x128xf32, #tpu.memory_space<hbm>>
    %dma_start3A_186 = arith.constant 0 : i32
    %dma_start3A_187 = tpu.memref_slice %arg4[%add3A_180, %dma_start3A_186] : memref<16384x128xf32, #tpu.memory_space<hbm>> -> memref<64x128xf32, #tpu.memory_space<hbm>>
    %dma_start3A_188 = arith.constant 256 : i32
    %dma_start3A_189 = arith.constant 0 : i32
    %dma_start3A_190 = tpu.memref_slice %arg6[%dma_start3A_188, %dma_start3A_189] : memref<512x128xf32, #tpu.memory_space<vmem>> -> memref<64x128xf32, #tpu.memory_space<vmem>>
    tpu.enqueue_dma source(%dma_start3A_190 : memref<64x128xf32, #tpu.memory_space<vmem>>) target(%dma_start3A_187 : memref<64x128xf32, #tpu.memory_space<hbm>>) target_semaphore(%arg16 : memref<!tpu.dma_semaphore, #tpu.memory_space<semaphore_mem>>)
    %dma_wait3A_191 = arith.constant 2 : i32
    %dma_wait3A_192 = arith.constant 320 : i32
    %dma_wait3A_193 = arith.constant 0 : i32
    %dma_wait3A_194 = tpu.memref_slice %arg6[%dma_wait3A_192, %dma_wait3A_193] : memref<512x128xf32, #tpu.memory_space<vmem>> -> memref<64x128xf32, #tpu.memory_space<vmem>>
    %dma_wait3A_195 = arith.constant 64 : i32
    %dma_wait3A_196 = tpu.memref_slice %arg5[%dma_wait3A_191, %dma_wait3A_195] : memref<4x128xi32, #tpu.memory_space<vmem>> -> memref<1x64xi32, #tpu.memory_space<vmem>>
    %dma_wait3A_197 = tpu.memref_squeeze %dma_wait3A_196 : memref<1x64xi32, #tpu.memory_space<vmem>> -> memref<64xi32, #tpu.memory_space<vmem>>
    %dma_wait3A_198 = arith.constant 0 : i32
    %dma_wait3A_199 = arith.constant 0 : i32
    %dma_wait3A_200 = tpu.memref_slice %arg7[%dma_wait3A_198, %dma_wait3A_199] : memref<1001x128xf32, #tpu.memory_space<vmem_shared>> -> memref<1001x128xf32, #tpu.memory_space<vmem_shared>>
    tpu.wait_indirect_dma semaphore(%arg13 : memref<!tpu.dma_semaphore, #tpu.memory_space<semaphore_mem>>) src(%dma_wait3A_200 : memref<1001x128xf32, #tpu.memory_space<vmem_shared>>) dst(%dma_wait3A_194 : memref<64x128xf32, #tpu.memory_space<vmem>>)
    %mul3A_201 = arith.constant 512 : i32
    %mul3A_202 = arith.muli %add3A, %mul3A_201 : i32
    %add3A_203 = arith.constant 320 : i32
    %add3A_204 = arith.addi %mul3A_202, %add3A_203 : i32
    %dma_start3A_205 = arith.constant 320 : i32
    %dma_start3A_206 = arith.constant 0 : i32
    %dma_start3A_207 = tpu.memref_slice %arg6[%dma_start3A_205, %dma_start3A_206] : memref<512x128xf32, #tpu.memory_space<vmem>> -> memref<64x128xf32, #tpu.memory_space<vmem>>
    %dma_start3A_208 = arith.constant 0 : i32
    %dma_start3A_209 = tpu.memref_slice %arg4[%add3A_204, %dma_start3A_208] : memref<16384x128xf32, #tpu.memory_space<hbm>> -> memref<64x128xf32, #tpu.memory_space<hbm>>
    %dma_start3A_210 = arith.constant 0 : i32
    %dma_start3A_211 = tpu.memref_slice %arg4[%add3A_204, %dma_start3A_210] : memref<16384x128xf32, #tpu.memory_space<hbm>> -> memref<64x128xf32, #tpu.memory_space<hbm>>
    %dma_start3A_212 = arith.constant 320 : i32
    %dma_start3A_213 = arith.constant 0 : i32
    %dma_start3A_214 = tpu.memref_slice %arg6[%dma_start3A_212, %dma_start3A_213] : memref<512x128xf32, #tpu.memory_space<vmem>> -> memref<64x128xf32, #tpu.memory_space<vmem>>
    tpu.enqueue_dma source(%dma_start3A_214 : memref<64x128xf32, #tpu.memory_space<vmem>>) target(%dma_start3A_211 : memref<64x128xf32, #tpu.memory_space<hbm>>) target_semaphore(%arg16 : memref<!tpu.dma_semaphore, #tpu.memory_space<semaphore_mem>>)
    %dma_wait3A_215 = arith.constant 3 : i32
    %dma_wait3A_216 = arith.constant 384 : i32
    %dma_wait3A_217 = arith.constant 0 : i32
    %dma_wait3A_218 = tpu.memref_slice %arg6[%dma_wait3A_216, %dma_wait3A_217] : memref<512x128xf32, #tpu.memory_space<vmem>> -> memref<64x128xf32, #tpu.memory_space<vmem>>
    %dma_wait3A_219 = arith.constant 0 : i32
    %dma_wait3A_220 = tpu.memref_slice %arg5[%dma_wait3A_215, %dma_wait3A_219] : memref<4x128xi32, #tpu.memory_space<vmem>> -> memref<1x64xi32, #tpu.memory_space<vmem>>
    %dma_wait3A_221 = tpu.memref_squeeze %dma_wait3A_220 : memref<1x64xi32, #tpu.memory_space<vmem>> -> memref<64xi32, #tpu.memory_space<vmem>>
    %dma_wait3A_222 = arith.constant 0 : i32
    %dma_wait3A_223 = arith.constant 0 : i32
    %dma_wait3A_224 = tpu.memref_slice %arg7[%dma_wait3A_222, %dma_wait3A_223] : memref<1001x128xf32, #tpu.memory_space<vmem_shared>> -> memref<1001x128xf32, #tpu.memory_space<vmem_shared>>
    tpu.wait_indirect_dma semaphore(%arg14 : memref<!tpu.dma_semaphore, #tpu.memory_space<semaphore_mem>>) src(%dma_wait3A_224 : memref<1001x128xf32, #tpu.memory_space<vmem_shared>>) dst(%dma_wait3A_218 : memref<64x128xf32, #tpu.memory_space<vmem>>)
    %mul3A_225 = arith.constant 512 : i32
    %mul3A_226 = arith.muli %add3A, %mul3A_225 : i32
    %add3A_227 = arith.constant 384 : i32
    %add3A_228 = arith.addi %mul3A_226, %add3A_227 : i32
    %dma_start3A_229 = arith.constant 384 : i32
    %dma_start3A_230 = arith.constant 0 : i32
    %dma_start3A_231 = tpu.memref_slice %arg6[%dma_start3A_229, %dma_start3A_230] : memref<512x128xf32, #tpu.memory_space<vmem>> -> memref<64x128xf32, #tpu.memory_space<vmem>>
    %dma_start3A_232 = arith.constant 0 : i32
    %dma_start3A_233 = tpu.memref_slice %arg4[%add3A_228, %dma_start3A_232] : memref<16384x128xf32, #tpu.memory_space<hbm>> -> memref<64x128xf32, #tpu.memory_space<hbm>>
    %dma_start3A_234 = arith.constant 0 : i32
    %dma_start3A_235 = tpu.memref_slice %arg4[%add3A_228, %dma_start3A_234] : memref<16384x128xf32, #tpu.memory_space<hbm>> -> memref<64x128xf32, #tpu.memory_space<hbm>>
    %dma_start3A_236 = arith.constant 384 : i32
    %dma_start3A_237 = arith.constant 0 : i32
    %dma_start3A_238 = tpu.memref_slice %arg6[%dma_start3A_236, %dma_start3A_237] : memref<512x128xf32, #tpu.memory_space<vmem>> -> memref<64x128xf32, #tpu.memory_space<vmem>>
    tpu.enqueue_dma source(%dma_start3A_238 : memref<64x128xf32, #tpu.memory_space<vmem>>) target(%dma_start3A_235 : memref<64x128xf32, #tpu.memory_space<hbm>>) target_semaphore(%arg16 : memref<!tpu.dma_semaphore, #tpu.memory_space<semaphore_mem>>)
    %dma_wait3A_239 = arith.constant 3 : i32
    %dma_wait3A_240 = arith.constant 448 : i32
    %dma_wait3A_241 = arith.constant 0 : i32
    %dma_wait3A_242 = tpu.memref_slice %arg6[%dma_wait3A_240, %dma_wait3A_241] : memref<512x128xf32, #tpu.memory_space<vmem>> -> memref<64x128xf32, #tpu.memory_space<vmem>>
    %dma_wait3A_243 = arith.constant 64 : i32
    %dma_wait3A_244 = tpu.memref_slice %arg5[%dma_wait3A_239, %dma_wait3A_243] : memref<4x128xi32, #tpu.memory_space<vmem>> -> memref<1x64xi32, #tpu.memory_space<vmem>>
    %dma_wait3A_245 = tpu.memref_squeeze %dma_wait3A_244 : memref<1x64xi32, #tpu.memory_space<vmem>> -> memref<64xi32, #tpu.memory_space<vmem>>
    %dma_wait3A_246 = arith.constant 0 : i32
    %dma_wait3A_247 = arith.constant 0 : i32
    %dma_wait3A_248 = tpu.memref_slice %arg7[%dma_wait3A_246, %dma_wait3A_247] : memref<1001x128xf32, #tpu.memory_space<vmem_shared>> -> memref<1001x128xf32, #tpu.memory_space<vmem_shared>>
    tpu.wait_indirect_dma semaphore(%arg15 : memref<!tpu.dma_semaphore, #tpu.memory_space<semaphore_mem>>) src(%dma_wait3A_248 : memref<1001x128xf32, #tpu.memory_space<vmem_shared>>) dst(%dma_wait3A_242 : memref<64x128xf32, #tpu.memory_space<vmem>>)
    %mul3A_249 = arith.constant 512 : i32
    %mul3A_250 = arith.muli %add3A, %mul3A_249 : i32
    %add3A_251 = arith.constant 448 : i32
    %add3A_252 = arith.addi %mul3A_250, %add3A_251 : i32
    %dma_start3A_253 = arith.constant 448 : i32
    %dma_start3A_254 = arith.constant 0 : i32
    %dma_start3A_255 = tpu.memref_slice %arg6[%dma_start3A_253, %dma_start3A_254] : memref<512x128xf32, #tpu.memory_space<vmem>> -> memref<64x128xf32, #tpu.memory_space<vmem>>
    %dma_start3A_256 = arith.constant 0 : i32
    %dma_start3A_257 = tpu.memref_slice %arg4[%add3A_252, %dma_start3A_256] : memref<16384x128xf32, #tpu.memory_space<hbm>> -> memref<64x128xf32, #tpu.memory_space<hbm>>
    %dma_start3A_258 = arith.constant 0 : i32
    %dma_start3A_259 = tpu.memref_slice %arg4[%add3A_252, %dma_start3A_258] : memref<16384x128xf32, #tpu.memory_space<hbm>> -> memref<64x128xf32, #tpu.memory_space<hbm>>
    %dma_start3A_260 = arith.constant 448 : i32
    %dma_start3A_261 = arith.constant 0 : i32
    %dma_start3A_262 = tpu.memref_slice %arg6[%dma_start3A_260, %dma_start3A_261] : memref<512x128xf32, #tpu.memory_space<vmem>> -> memref<64x128xf32, #tpu.memory_space<vmem>>
    tpu.enqueue_dma source(%dma_start3A_262 : memref<64x128xf32, #tpu.memory_space<vmem>>) target(%dma_start3A_259 : memref<64x128xf32, #tpu.memory_space<hbm>>) target_semaphore(%arg16 : memref<!tpu.dma_semaphore, #tpu.memory_space<semaphore_mem>>)
    %dma_wait3A_263 = arith.constant 0 : i32
    %dma_wait3A_264 = arith.constant 0 : i32
    %dma_wait3A_265 = arith.constant 0 : i32
    %dma_wait3A_266 = tpu.memref_slice %arg6[%dma_wait3A_264, %dma_wait3A_265] : memref<512x128xf32, #tpu.memory_space<vmem>> -> memref<64x128xf32, #tpu.memory_space<vmem>>
    %dma_wait3A_267 = arith.constant 0 : i32
    %dma_wait3A_268 = tpu.memref_slice %arg5[%dma_wait3A_263, %dma_wait3A_267] : memref<4x128xi32, #tpu.memory_space<vmem>> -> memref<1x64xi32, #tpu.memory_space<vmem>>
    %dma_wait3A_269 = tpu.memref_squeeze %dma_wait3A_268 : memref<1x64xi32, #tpu.memory_space<vmem>> -> memref<64xi32, #tpu.memory_space<vmem>>
    %dma_wait3A_270 = arith.constant 0 : i32
    %dma_wait3A_271 = arith.constant 0 : i32
    %dma_wait3A_272 = tpu.memref_slice %arg3[%dma_wait3A_270, %dma_wait3A_271] : memref<1001x128xf32, #tpu.memory_space<hbm>> -> memref<1001x128xf32, #tpu.memory_space<hbm>>
    tpu.wait_indirect_dma semaphore(%arg8 : memref<!tpu.dma_semaphore, #tpu.memory_space<semaphore_mem>>) src(%dma_wait3A_272 : memref<1001x128xf32, #tpu.memory_space<hbm>>) dst(%dma_wait3A_266 : memref<64x128xf32, #tpu.memory_space<vmem>>)
    %mul3A_273 = arith.constant 512 : i32
    %mul3A_274 = arith.muli %add3A, %mul3A_273 : i32
    %add3A_275 = arith.constant 0 : i32
    %add3A_276 = arith.addi %mul3A_274, %add3A_275 : i32
    %dma_start3A_277 = arith.constant 0 : i32
    %dma_start3A_278 = arith.constant 0 : i32
    %dma_start3A_279 = tpu.memref_slice %arg6[%dma_start3A_277, %dma_start3A_278] : memref<512x128xf32, #tpu.memory_space<vmem>> -> memref<64x128xf32, #tpu.memory_space<vmem>>
    %dma_start3A_280 = arith.constant 0 : i32
    %dma_start3A_281 = tpu.memref_slice %arg4[%add3A_276, %dma_start3A_280] : memref<16384x128xf32, #tpu.memory_space<hbm>> -> memref<64x128xf32, #tpu.memory_space<hbm>>
    %dma_start3A_282 = arith.constant 0 : i32
    %dma_start3A_283 = tpu.memref_slice %arg4[%add3A_276, %dma_start3A_282] : memref<16384x128xf32, #tpu.memory_space<hbm>> -> memref<64x128xf32, #tpu.memory_space<hbm>>
    %dma_start3A_284 = arith.constant 0 : i32
    %dma_start3A_285 = arith.constant 0 : i32
    %dma_start3A_286 = tpu.memref_slice %arg6[%dma_start3A_284, %dma_start3A_285] : memref<512x128xf32, #tpu.memory_space<vmem>> -> memref<64x128xf32, #tpu.memory_space<vmem>>
    tpu.enqueue_dma source(%dma_start3A_286 : memref<64x128xf32, #tpu.memory_space<vmem>>) target(%dma_start3A_283 : memref<64x128xf32, #tpu.memory_space<hbm>>) target_semaphore(%arg16 : memref<!tpu.dma_semaphore, #tpu.memory_space<semaphore_mem>>)
    %dma_wait3A_287 = arith.constant 64 : i32
    %dma_wait3A_288 = arith.constant 0 : i32
    %dma_wait3A_289 = tpu.memref_slice %arg6[%dma_wait3A_287, %dma_wait3A_288] : memref<512x128xf32, #tpu.memory_space<vmem>> -> memref<64x128xf32, #tpu.memory_space<vmem>>
    %dma_wait3A_290 = arith.constant 0 : i32
    %dma_wait3A_291 = tpu.memref_slice %arg4[%add3A_108, %dma_wait3A_290] : memref<16384x128xf32, #tpu.memory_space<hbm>> -> memref<64x128xf32, #tpu.memory_space<hbm>>
    %dma_wait3A_292 = arith.constant 0 : i32
    %dma_wait3A_293 = tpu.memref_slice %arg4[%add3A_108, %dma_wait3A_292] : memref<16384x128xf32, #tpu.memory_space<hbm>> -> memref<64x128xf32, #tpu.memory_space<hbm>>
    %dma_wait3A_294 = arith.constant 64 : i32
    %dma_wait3A_295 = arith.constant 0 : i32
    %dma_wait3A_296 = tpu.memref_slice %arg6[%dma_wait3A_294, %dma_wait3A_295] : memref<512x128xf32, #tpu.memory_space<vmem>> -> memref<64x128xf32, #tpu.memory_space<vmem>>
    tpu.wait_dma2 semaphore(%arg16 : memref<!tpu.dma_semaphore, #tpu.memory_space<semaphore_mem>>) src(%dma_wait3A_296 : memref<64x128xf32, #tpu.memory_space<vmem>>) dst(%dma_wait3A_293 : memref<64x128xf32, #tpu.memory_space<hbm>>)
    %dma_wait3A_297 = arith.constant 128 : i32
    %dma_wait3A_298 = arith.constant 0 : i32
    %dma_wait3A_299 = tpu.memref_slice %arg6[%dma_wait3A_297, %dma_wait3A_298] : memref<512x128xf32, #tpu.memory_space<vmem>> -> memref<64x128xf32, #tpu.memory_space<vmem>>
    %dma_wait3A_300 = arith.constant 0 : i32
    %dma_wait3A_301 = tpu.memref_slice %arg4[%add3A_132, %dma_wait3A_300] : memref<16384x128xf32, #tpu.memory_space<hbm>> -> memref<64x128xf32, #tpu.memory_space<hbm>>
    %dma_wait3A_302 = arith.constant 0 : i32
    %dma_wait3A_303 = tpu.memref_slice %arg4[%add3A_132, %dma_wait3A_302] : memref<16384x128xf32, #tpu.memory_space<hbm>> -> memref<64x128xf32, #tpu.memory_space<hbm>>
    %dma_wait3A_304 = arith.constant 128 : i32
    %dma_wait3A_305 = arith.constant 0 : i32
    %dma_wait3A_306 = tpu.memref_slice %arg6[%dma_wait3A_304, %dma_wait3A_305] : memref<512x128xf32, #tpu.memory_space<vmem>> -> memref<64x128xf32, #tpu.memory_space<vmem>>
    tpu.wait_dma2 semaphore(%arg16 : memref<!tpu.dma_semaphore, #tpu.memory_space<semaphore_mem>>) src(%dma_wait3A_306 : memref<64x128xf32, #tpu.memory_space<vmem>>) dst(%dma_wait3A_303 : memref<64x128xf32, #tpu.memory_space<hbm>>)
    %dma_wait3A_307 = arith.constant 192 : i32
    %dma_wait3A_308 = arith.constant 0 : i32
    %dma_wait3A_309 = tpu.memref_slice %arg6[%dma_wait3A_307, %dma_wait3A_308] : memref<512x128xf32, #tpu.memory_space<vmem>> -> memref<64x128xf32, #tpu.memory_space<vmem>>
    %dma_wait3A_310 = arith.constant 0 : i32
    %dma_wait3A_311 = tpu.memref_slice %arg4[%add3A_156, %dma_wait3A_310] : memref<16384x128xf32, #tpu.memory_space<hbm>> -> memref<64x128xf32, #tpu.memory_space<hbm>>
    %dma_wait3A_312 = arith.constant 0 : i32
    %dma_wait3A_313 = tpu.memref_slice %arg4[%add3A_156, %dma_wait3A_312] : memref<16384x128xf32, #tpu.memory_space<hbm>> -> memref<64x128xf32, #tpu.memory_space<hbm>>
    %dma_wait3A_314 = arith.constant 192 : i32
    %dma_wait3A_315 = arith.constant 0 : i32
    %dma_wait3A_316 = tpu.memref_slice %arg6[%dma_wait3A_314, %dma_wait3A_315] : memref<512x128xf32, #tpu.memory_space<vmem>> -> memref<64x128xf32, #tpu.memory_space<vmem>>
    tpu.wait_dma2 semaphore(%arg16 : memref<!tpu.dma_semaphore, #tpu.memory_space<semaphore_mem>>) src(%dma_wait3A_316 : memref<64x128xf32, #tpu.memory_space<vmem>>) dst(%dma_wait3A_313 : memref<64x128xf32, #tpu.memory_space<hbm>>)
    %dma_wait3A_317 = arith.constant 256 : i32
    %dma_wait3A_318 = arith.constant 0 : i32
    %dma_wait3A_319 = tpu.memref_slice %arg6[%dma_wait3A_317, %dma_wait3A_318] : memref<512x128xf32, #tpu.memory_space<vmem>> -> memref<64x128xf32, #tpu.memory_space<vmem>>
    %dma_wait3A_320 = arith.constant 0 : i32
    %dma_wait3A_321 = tpu.memref_slice %arg4[%add3A_180, %dma_wait3A_320] : memref<16384x128xf32, #tpu.memory_space<hbm>> -> memref<64x128xf32, #tpu.memory_space<hbm>>
    %dma_wait3A_322 = arith.constant 0 : i32
    %dma_wait3A_323 = tpu.memref_slice %arg4[%add3A_180, %dma_wait3A_322] : memref<16384x128xf32, #tpu.memory_space<hbm>> -> memref<64x128xf32, #tpu.memory_space<hbm>>
    %dma_wait3A_324 = arith.constant 256 : i32
    %dma_wait3A_325 = arith.constant 0 : i32
    %dma_wait3A_326 = tpu.memref_slice %arg6[%dma_wait3A_324, %dma_wait3A_325] : memref<512x128xf32, #tpu.memory_space<vmem>> -> memref<64x128xf32, #tpu.memory_space<vmem>>
    tpu.wait_dma2 semaphore(%arg16 : memref<!tpu.dma_semaphore, #tpu.memory_space<semaphore_mem>>) src(%dma_wait3A_326 : memref<64x128xf32, #tpu.memory_space<vmem>>) dst(%dma_wait3A_323 : memref<64x128xf32, #tpu.memory_space<hbm>>)
    %dma_wait3A_327 = arith.constant 320 : i32
    %dma_wait3A_328 = arith.constant 0 : i32
    %dma_wait3A_329 = tpu.memref_slice %arg6[%dma_wait3A_327, %dma_wait3A_328] : memref<512x128xf32, #tpu.memory_space<vmem>> -> memref<64x128xf32, #tpu.memory_space<vmem>>
    %dma_wait3A_330 = arith.constant 0 : i32
    %dma_wait3A_331 = tpu.memref_slice %arg4[%add3A_204, %dma_wait3A_330] : memref<16384x128xf32, #tpu.memory_space<hbm>> -> memref<64x128xf32, #tpu.memory_space<hbm>>
    %dma_wait3A_332 = arith.constant 0 : i32
    %dma_wait3A_333 = tpu.memref_slice %arg4[%add3A_204, %dma_wait3A_332] : memref<16384x128xf32, #tpu.memory_space<hbm>> -> memref<64x128xf32, #tpu.memory_space<hbm>>
    %dma_wait3A_334 = arith.constant 320 : i32
    %dma_wait3A_335 = arith.constant 0 : i32
    %dma_wait3A_336 = tpu.memref_slice %arg6[%dma_wait3A_334, %dma_wait3A_335] : memref<512x128xf32, #tpu.memory_space<vmem>> -> memref<64x128xf32, #tpu.memory_space<vmem>>
    tpu.wait_dma2 semaphore(%arg16 : memref<!tpu.dma_semaphore, #tpu.memory_space<semaphore_mem>>) src(%dma_wait3A_336 : memref<64x128xf32, #tpu.memory_space<vmem>>) dst(%dma_wait3A_333 : memref<64x128xf32, #tpu.memory_space<hbm>>)
    %dma_wait3A_337 = arith.constant 384 : i32
    %dma_wait3A_338 = arith.constant 0 : i32
    %dma_wait3A_339 = tpu.memref_slice %arg6[%dma_wait3A_337, %dma_wait3A_338] : memref<512x128xf32, #tpu.memory_space<vmem>> -> memref<64x128xf32, #tpu.memory_space<vmem>>
    %dma_wait3A_340 = arith.constant 0 : i32
    %dma_wait3A_341 = tpu.memref_slice %arg4[%add3A_228, %dma_wait3A_340] : memref<16384x128xf32, #tpu.memory_space<hbm>> -> memref<64x128xf32, #tpu.memory_space<hbm>>
    %dma_wait3A_342 = arith.constant 0 : i32
    %dma_wait3A_343 = tpu.memref_slice %arg4[%add3A_228, %dma_wait3A_342] : memref<16384x128xf32, #tpu.memory_space<hbm>> -> memref<64x128xf32, #tpu.memory_space<hbm>>
    %dma_wait3A_344 = arith.constant 384 : i32
    %dma_wait3A_345 = arith.constant 0 : i32
    %dma_wait3A_346 = tpu.memref_slice %arg6[%dma_wait3A_344, %dma_wait3A_345] : memref<512x128xf32, #tpu.memory_space<vmem>> -> memref<64x128xf32, #tpu.memory_space<vmem>>
    tpu.wait_dma2 semaphore(%arg16 : memref<!tpu.dma_semaphore, #tpu.memory_space<semaphore_mem>>) src(%dma_wait3A_346 : memref<64x128xf32, #tpu.memory_space<vmem>>) dst(%dma_wait3A_343 : memref<64x128xf32, #tpu.memory_space<hbm>>)
    %dma_wait3A_347 = arith.constant 448 : i32
    %dma_wait3A_348 = arith.constant 0 : i32
    %dma_wait3A_349 = tpu.memref_slice %arg6[%dma_wait3A_347, %dma_wait3A_348] : memref<512x128xf32, #tpu.memory_space<vmem>> -> memref<64x128xf32, #tpu.memory_space<vmem>>
    %dma_wait3A_350 = arith.constant 0 : i32
    %dma_wait3A_351 = tpu.memref_slice %arg4[%add3A_252, %dma_wait3A_350] : memref<16384x128xf32, #tpu.memory_space<hbm>> -> memref<64x128xf32, #tpu.memory_space<hbm>>
    %dma_wait3A_352 = arith.constant 0 : i32
    %dma_wait3A_353 = tpu.memref_slice %arg4[%add3A_252, %dma_wait3A_352] : memref<16384x128xf32, #tpu.memory_space<hbm>> -> memref<64x128xf32, #tpu.memory_space<hbm>>
    %dma_wait3A_354 = arith.constant 448 : i32
    %dma_wait3A_355 = arith.constant 0 : i32
    %dma_wait3A_356 = tpu.memref_slice %arg6[%dma_wait3A_354, %dma_wait3A_355] : memref<512x128xf32, #tpu.memory_space<vmem>> -> memref<64x128xf32, #tpu.memory_space<vmem>>
    tpu.wait_dma2 semaphore(%arg16 : memref<!tpu.dma_semaphore, #tpu.memory_space<semaphore_mem>>) src(%dma_wait3A_356 : memref<64x128xf32, #tpu.memory_space<vmem>>) dst(%dma_wait3A_353 : memref<64x128xf32, #tpu.memory_space<hbm>>)
    %dma_wait3A_357 = arith.constant 0 : i32
    %dma_wait3A_358 = arith.constant 0 : i32
    %dma_wait3A_359 = tpu.memref_slice %arg6[%dma_wait3A_357, %dma_wait3A_358] : memref<512x128xf32, #tpu.memory_space<vmem>> -> memref<64x128xf32, #tpu.memory_space<vmem>>
    %dma_wait3A_360 = arith.constant 0 : i32
    %dma_wait3A_361 = tpu.memref_slice %arg4[%add3A_276, %dma_wait3A_360] : memref<16384x128xf32, #tpu.memory_space<hbm>> -> memref<64x128xf32, #tpu.memory_space<hbm>>
    %dma_wait3A_362 = arith.constant 0 : i32
    %dma_wait3A_363 = tpu.memref_slice %arg4[%add3A_276, %dma_wait3A_362] : memref<16384x128xf32, #tpu.memory_space<hbm>> -> memref<64x128xf32, #tpu.memory_space<hbm>>
    %dma_wait3A_364 = arith.constant 0 : i32
    %dma_wait3A_365 = arith.constant 0 : i32
    %dma_wait3A_366 = tpu.memref_slice %arg6[%dma_wait3A_364, %dma_wait3A_365] : memref<512x128xf32, #tpu.memory_space<vmem>> -> memref<64x128xf32, #tpu.memory_space<vmem>>
    tpu.wait_dma2 semaphore(%arg16 : memref<!tpu.dma_semaphore, #tpu.memory_space<semaphore_mem>>) src(%dma_wait3A_366 : memref<64x128xf32, #tpu.memory_space<vmem>>) dst(%dma_wait3A_363 : memref<64x128xf32, #tpu.memory_space<hbm>>)
    return
  }
}

</mosaic_0001>

<sc_bundles>
// kernel: kernel.3.cloned.1.call-start
scs
__scs_entry_jumppad:
0x0: {  	(pc) =	sbr.rel $0x88, $3  }
0x1: {  	(tag) =	ssettag $0x0;
	lr =	simm.s32 $0x1  }
0x2: {  	[smem:$0x3F9F] =	sst lr;
	_ =	strace $0xD0000000  }
0x3: {  	_ = 	snop  }
0x4: {  	_ = 	snop  }
0x5: {  	_ = 	snop  }
0x6: {  	_ = 	snop  }
0x7: {  	_ = 	snop  }
__scs_overlays_trampoline_lowered:
0x8: {  	[smem:$0x3FAE] =	sst s0  }
0x9: {  	[smem:$0x3FAF] =	sst s1  }
0xa: {  	[smem:$0x3FB0] =	sst s2  }
0xb: {  	[smem:$0x3FB1] =	sst s3  }
0xc: {  	[smem:$0x3FB2] =	sst s4  }
0xd: {  	[smem:$0x3FB3] =	sst s5  }
0xe: {  	[smem:$0x3FB4] =	sst s6  }
0xf: {  	[smem:$0x3FB5] =	sst s7  }
0x10: {  	[smem:$0x3FB6] =	sst s8  }
0x11: {  	[smem:$0x3FB7] =	sst s9;
	s0 =	simm.s32 @!p0 $0x0  }
0x12: {  	s1 =	sld [smem:$0x3F9D];
	s0 =	simm.s32 @p0 $0x1  }
0x13: {  	[smem:$0x3FB8] =	sst s0;
	s0 =	simm.s32 @!p1 $0x0  }
0x14: {  	s2 =	sld [smem:$0x3F9C];
	s0 =	simm.s32 @p1 $0x1  }
0x15: {  	[smem:$0x3FB9] =	sst s0;
	s0 =	simm.s32 @!p2 $0x0  }
0x16: {  	s3 =	sld [smem:$0x3FDB];
	s0 =	simm.s32 @p2 $0x1  }
0x17: {  	s4 =	simm.s32 $0x1BF5;
	[smem:$0x3FBB] =	sst s0  }
0x18: {  	s0 =	sld [smem:$0x3F9E];
	_ =	swait.ge [sflag:s4], $0x0  }
0x19: {  	s7 =	sld [smem:$0x3F9F]  }
0x1a: {  	s8 =	sadd.s32 $0xFFFFE003, lr  }
0x1b: {  	s9 =	sadd.s32 $0xFFFFFEF7, lr;
	s5 =	simm.s32 $0xFFFFFFFF;
	p2 =	slt.u32 s8, $0xFFFFF086  }
0x1c: {  	p1 =	slt.u32 s9, $0xF7A;
	s5 =	simm.s32 @!p2 $0x0  }
0x1d: {  	s5 =	simm.s32 @p1 $0x1;
	p0 =	seq.s32 s7, s2  }
0x1e: {  	s7 =	smul.u32 @!p0 $0xF7A, s2;
	p2 =	seq.s32 @!p0 s5, $0x0  }
0x1f: {  	s9 =	smul.u32 $0xF7A, s1;
	s8 =	simm.s32 @!p0 $0x1BF5;
	p2 =	por !p2, p0  }
0x20: {  	[sflag:s8] =	ssyncset.s32 @!p0 $0xFFFFF086;
	s6 =	sadd.s32 @!p0 s3, s7;
	s7 =	simm.s32 @!p0 $0x108  }
0x21: {  	s3 =	sadd.s32 s3, s9;
	s6 =	sadd.s32 @!p0 $0x88, s6;
	s7 =	simm.s32 @p2 $0x1082  }
0x22: {  	[simem:s7], [sflag:s8] =	dma.local @!p0 [hbm:s6], $0xF7A  }
0x23: {  	s9 =	sor.u32 $0xD0000000, s2;
	s6 =	simm.s32 $0x108;
	_ =	swait.ge @!p0 [sflag:s8], $0x0  }
0x24: {  	s3 =	sadd.s32 $0x88, s3;
	s6 =	simm.s32 @!p1 $0x1082;
	[sflag:s4] =	ssyncset.s32 $0xFFFFF086  }
0x25: {  	[simem:s6], [sflag:s4] =	dma.local [hbm:s3], $0xF7A  }
0x26: {  	[smem:$0x3F9F] =	sst s1;
	(tag) =	ssettag s2;
	_ =	strace s9  }
0x27: {  	s1 =	sld [smem:$0x3FAF]  }
0x28: {  	s2 =	sld [smem:$0x3FB0]  }
0x29: {  	s4 =	sld [smem:$0x3FB2]  }
0x2a: {  	p0 =	seq.s32 s5, $0x0;
	s5 =	sld [smem:$0x3FB3]  }
0x2b: {  	s6 =	sld [smem:$0x3FB4]  }
0x2c: {  	s7 =	sld [smem:$0x3FB5]  }
0x2d: {  	s3 =	simm.s32 $0x108;
	s8 =	sld [smem:$0x3FB6]  }
0x2e: {  	s3 =	simm.s32 @!p0 $0x1082;
	s9 =	sld [smem:$0x3FB7]  }
0x2f: {  	lr =	sadd.s32 s0, s3;
	s0 =	sld [smem:$0x3FAE]  }
0x30: {  	s3 =	sld [smem:$0x3FB1]  }
0x31: {  	[smem:$0x3FBA] =	sst s10  }
0x32: {  	s10 =	sld [smem:$0x3FB8];
	_ =	sdelay $0x3  }
0x33: {  	p0 =	seq.s32 s10, $0x1;
	s10 =	sld [smem:$0x3FBA];
	_ =	sdelay $0x3  }
0x34: {  	[smem:$0x3FBA] =	sst s10  }
0x35: {  	s10 =	sld [smem:$0x3FB9];
	_ =	sdelay $0x3  }
0x36: {  	p1 =	seq.s32 s10, $0x1;
	s10 =	sld [smem:$0x3FBA];
	_ =	sdelay $0x3  }
0x37: {  	[smem:$0x3FBA] =	sst s10  }
0x38: {  	s10 =	sld [smem:$0x3FBB]  }
0x39: {  	_ = 	snop;
	(pc) =	sbr.ind lr, $3  }
0x3a: {  	_ = 	snop  }
0x3b: {  	_ = 	snop  }
0x3c: {  	p2 =	seq.s32 s10, $0x1;
	s10 =	sld [smem:$0x3FBA]  }
0x3d: {  	_ =	shalt  }
0x3e: {  	_ =	shalt  }
0x3f: {  	_ =	shalt  }
0x40: {  	_ =	shalt  }
0x41: {  	_ =	shalt  }
0x42: {  	_ =	shalt  }
0x43: {  	_ =	shalt  }
0x44: {  	_ =	shalt  }
0x45: {  	_ =	shalt  }
0x46: {  	_ =	shalt  }
0x47: {  	_ =	shalt  }
0x48: {  	_ =	shalt  }
0x49: {  	_ =	shalt  }
0x4a: {  	_ =	shalt  }
0x4b: {  	_ =	shalt  }
0x4c: {  	_ =	shalt  }
0x4d: {  	_ =	shalt  }
0x4e: {  	_ =	shalt  }
0x4f: {  	_ =	shalt  }
0x50: {  	_ =	shalt  }
0x51: {  	_ =	shalt  }
0x52: {  	_ =	shalt  }
0x53: {  	_ =	shalt  }
0x54: {  	_ =	shalt  }
0x55: {  	_ =	shalt  }
0x56: {  	_ =	shalt  }
0x57: {  	_ =	shalt  }
0x58: {  	_ =	shalt  }
0x59: {  	_ =	shalt  }
0x5a: {  	_ =	shalt  }
0x5b: {  	_ =	shalt  }
0x5c: {  	_ =	shalt  }
0x5d: {  	_ =	shalt  }
0x5e: {  	_ =	shalt  }
0x5f: {  	_ =	shalt  }
0x60: {  	_ =	shalt  }
0x61: {  	_ =	shalt  }
0x62: {  	_ =	shalt  }
0x63: {  	_ =	shalt  }
0x64: {  	_ =	shalt  }
0x65: {  	_ =	shalt  }
0x66: {  	_ =	shalt  }
0x67: {  	_ =	shalt  }
0x68: {  	_ =	shalt  }
0x69: {  	_ =	shalt  }
0x6a: {  	_ =	shalt  }
0x6b: {  	_ =	shalt  }
0x6c: {  	_ =	shalt  }
0x6d: {  	_ =	shalt  }
0x6e: {  	_ =	shalt  }
0x6f: {  	_ =	shalt  }
0x70: {  	_ =	shalt  }
0x71: {  	_ =	shalt  }
0x72: {  	_ =	shalt  }
0x73: {  	_ =	shalt  }
0x74: {  	_ =	shalt  }
0x75: {  	_ =	shalt  }
0x76: {  	_ =	shalt  }
0x77: {  	_ =	shalt  }
0x78: {  	_ =	shalt  }
0x79: {  	_ =	shalt  }
0x7a: {  	_ =	shalt  }
0x7b: {  	_ =	shalt  }
0x7c: {  	_ =	shalt  }
0x7d: {  	_ =	shalt  }
0x7e: {  	_ =	shalt  }
0x7f: {  	_ =	shalt  }
0x80: {  	_ =	shalt  }
0x81: {  	_ =	shalt  }
0x82: {  	_ =	shalt  }
0x83: {  	_ =	shalt  }
0x84: {  	_ =	shalt  }
0x85: {  	_ =	shalt  }
0x86: {  	_ =	shalt  }
0x87: {  	_ =	shalt  }
.Lfunc_end0:
.L_simem_size_0:
called_computation_lowered:
.L_overlay_start_0:
0x88: {  	s2 =	sld [smem:$0x3FD9]  }
0x89: {  	s3 =	sld [smem:$0x3FFE];
	_ =	sdelay $0x1  }
0x8a: {  	s1 =	srdreg.scid  }
0x8b: {  	s0 =	sand.u32 $0x1, s1  }
0x8c: {  	s18 =	sshll.u32 s0, $0xA;
	s2 =	sadd.s32 s3, s2  }
0x8d: {  	s2 =	sadd.s32 s2, s18  }
0x8e: {  	[smem:$0x3FC6] =	sst s2  }
0x8f: {  	_ = 	snop  }
0x90: {  	s2 =	sld [smem:$0x3FC9]  }
0x91: {  	s19 =	sld [smem:$0x3FC8]  }
0x92: {  	s4 =	sld [smem:$0x3FD0];
	(tm) =	ssettm $0x1  }
0x93: {  	s5 =	sld [smem:$0x3FFB];
	_ =	sdelay $0x3  }
0x94: {  	_ =	strace s5  }
0x95: {  	s5 =	sld [smem:$0x3FFC];
	_ =	sdelay $0x3  }
0x96: {  	_ =	strace s5  }
0x97: {  	s5 =	sld [smem:$0x3FFD];
	_ =	sdelay $0x3  }
0x98: {  	_ =	strace s5  }
0x99: {  	_ =	strace $0x8FFFFFFF  }
0x9a: {  	s20 =	sld [smem:$0x3FDB];
	_ =	sdelay $0x1  }
0x9b: {  	s6 =	simm.s32 $_scs_section_size  }
0x9c: {  	s7 =	simm.s32 $_size__tile_overlayer_lowered;
	s8 =	simm.s32 $_tile_overlayer_lowered  }
0x9d: {  	s23 =	simm.s32 $0x1BFF;
	s22 =	sshll.u32 s8, $0x1;
	s5 =	sadd.s32 s6, s20  }
0x9e: {  	s9 =	simm.s32 $0x0;
	s21 =	sshll.u32 s7, $0x1;
	s7 =	sadd.s32 s22, s5  }
0x9f: {  	[timem:s9], [sflag:s23] =	dma.local [hbm:s7], s21  }
0xa0: {  	_ =	swait.ge [sflag:s23], s21  }
0xa1: {  	s6 =	ssub.s32 $0x0, s21;
	[sflag:s23] =	ssyncset.done $0x0  }
0xa2: {  	[sflag:s23] =	ssyncadd.s32 s6;
	_ =	sdelay $0x1  }
0xa3: {  	s24 =	simm.s32 $0x1B8B  }
0xa4: {  	_ =	swait.ge [sflag:s24], $0x1  }
0xa5: {  	[sflag:s24] =	ssyncset.done $0x0  }
0xa6: {  	s25 =	simm.s32 $0x1B8E;
	[sflag:s24] =	ssyncadd.s32 $0xFFFFFFFF  }
0xa7: {  	s26 =	simm.s32 $execute0_lowered;
	[smem:$0x3FD2] =	sst s25  }
0xa8: {  	s6 =	sshll.u32 s26, $0x1;
	_ =	strace $0x80000046;
	[dreg:$0x1] =	wrdreg $0xFFFFFFFF  }
0xa9: {  	s28 =	simm.s32 $_size_execute0_lowered;
	s5 =	sadd.s32 s5, s6;
	[dreg:$0x0] =	wrdreg $0x0  }
0xaa: {  	s6 =	sshll.u32 s28, $0x1;
	[dreg:$0x2] =	wrdreg s5  }
0xab: {  	[dreg:$0x3] =	wrdreg s6  }
0xac: {  	[dreg:$0x4] =	wrdreg $0xC0  }
0xad: {  	_ =	task [dreg:s9], $0x5FFFF  }
0xae: {  	[dreg:$0x1] =	wrdreg $0xFFFFFFFF  }
0xaf: {  	[dreg:$0x0] =	wrdreg $0x60  }
0xb0: {  	[dreg:$0x2] =	wrdreg s2  }
0xb1: {  	[dreg:$0x3] =	wrdreg s19  }
0xb2: {  	[dreg:$0x4] =	wrdreg s4  }
0xb3: {  	[dreg:$0x5] =	wrdreg $0x102000  }
0xb4: {  	[dreg:$0x6] =	wrdreg $0x9  }
0xb5: {  	_ =	task.clear_ibuf [dreg:s9], $0x7FFFF;
	_ =	strace $0x90000046  }
0xb6: {  	s29 =	simm.s32 $0x9;
	_ =	strace $0x80000048  }
0xb7: {  	_ =	swait.ge [sflag:s29], $0x1  }
0xb8: {  	[sflag:s29] =	ssyncadd.s32 $0xFFFFFFFF  }
0xb9: {  	_ =	strace $0x90000048  }
0xba: {  	_ =	sfence  }
0xbb: {  	s30 =	sld [smem:$0x0];
	_ =	sdelay $0x2  }
0xbc: {  	s31 =	sshll.u32 s1, $0xD;
	s1 =	sshrl.u32 s1, $0x2  }
0xbd: {  	s3 =	sand.u32 $0x4000, s31;
	s1 =	sadd.s32 s1, s30  }
0xbe: {  	s0 =	sor.u32 s3, s0;
	s1 =	sshll.u32 s1, $0x11  }
0xbf: {  	s0 =	sor.u32 s1, s0  }
0xc0: {  	s0 =	sadd.s32 $0x8F2B, s0  }
0xc1: {  	[sflag:s0] =	ssyncadd.remote.s32 $0x1  }
0xc2: {  	_ =	sfence.sel $0xFFFF  }
0xc3: {  	[dreg:$0x0] =	wrdreg $0xFFFFFFFF;
	(pc) =	sbr.abs _section_cstart, $3  }
0xc4: {  	[dreg:$0x1] =	wrdreg $0xFFFFFFFF  }
0xc5: {  	_ =	task.clear_ibuf [dreg:s9], $0x2FFFF;
	_ =	strace $0x9FFFFFFF  }
0xc6: {  	(tm) =	ssettm $0x7FFFFFFF  }
0xc7: {  	_ =	shalt  }
tec
execute0_lowered:
.L_overlay_start_1:
0x0: {  	(tag) =	ssettag $0x1  }
0x1: {  	s5 =	rddreg [dreg:$0x0]  }
0x2: {  	s2 =	rddreg [dreg:$0x1]  }
0x3: {  	s6 =	rddreg [dreg:$0x2]  }
0x4: {  	s3 =	rddreg [dreg:$0x3];
	s0 =	srdreg.scid;
	s4 =	simm.s32 $0x0  }
0x5: {  	s1 =	stileid.u32;
	s25 =	simm.s32 $0x80;
	s0 =	sand.u32 $0x1, s0  }
0x6: {  	[smem:$0x7FF] =	sst s4;
	s8 =	sshll.u32 s1, $0x7;
	s13 =	sshll.u32 s1, $0xA  }
0x7: {  	s14 =	sshll.u32 s1, $0xE;
	s17 =	sadd.s32 $0x3C00, s2;
	s7 =	sshll.u32 s0, $0x6  }
0x8: {  	_ =	strace $0x80000047;
	s9 =	sshll.u32 s0, $0xD;
	[dreg:$0x7] =	wrdreg s17  }
0x9: {  	s15 =	sadd.s32 s2, s13;
	[dreg:$0x12] =	wrdreg s25;
	s5 =	sadd.s32 s5, s7  }
0xa: {  	s16 =	sor.u32 s9, s14;
	[dreg:$0x6] =	wrdreg s15;
	s5 =	sadd.s32 s8, s5  }
0xb: {  	[dreg:$0x5] =	wrdreg s5;
	s5 =	sadd.s32 s6, s16  }
0xc: {  	s6 =	sadd.s32 $0x400, s5;
	s26 =	rddreg [dreg:$0x5]  }
0xd: {  	s18 =	sadd.s32 $0x800, s5;
	[dreg:$0x8] =	wrdreg s6  }
0xe: {  	s19 =	sadd.s32 $0xC00, s5;
	[dreg:$0x9] =	wrdreg s18  }
0xf: {  	s20 =	sadd.s32 $0x1000, s5;
	[dreg:$0xa] =	wrdreg s19  }
0x10: {  	s22 =	sadd.s32 $0x1400, s5;
	[dreg:$0xb] =	wrdreg s20  }
0x11: {  	p0 =	seq.s32 s1, $0xF;
	s23 =	sadd.s32 $0x1800, s5;
	[dreg:$0xc] =	wrdreg s22  }
0x12: {  	s8 =	sadd.s32 $0x1E000, s3;
	s24 =	sadd.s32 $0x1C00, s5;
	[dreg:$0xd] =	wrdreg s23  }
0x13: {  	[dreg:$0xe] =	wrdreg s24;
	s6 =	sshrl.u32 @p0 s8, $0x3  }
0x14: {  	[tilespmem:s4], [sflag:$0x9] =	stream.linear.gather [hbm4b:s26+s4], $0x200, $0x38;
	[tilespmem:$0x12148] =	vst v63  }
0x15: {  	s21 =	sshll.u32 s1, $0xD;
	s8 =	sshll.u32 @!p0 s1, $0x6;
	[dreg:$0x11] =	wrdreg s6  }
0x16: {  	s1 =	simm.s32 $0xC0;
	s6 =	sor.u32 @!p0 $0x1C0A, s8;
	s8 =	rddreg [dreg:$0x7]  }
0x17: {  	[dreg:$0x13] =	wrdreg s1  }
0x18: {  	s7 =	sadd.s32 s21, s3;
	[dreg:$0xf] =	wrdreg s6  }
0x19: {  	s6 =	sshrl.u32 @!p0 s7, $0x3;
	s10 =	rddreg [dreg:$0x11]  }
0x1a: {  	s1 =	simm.s32 @p0 $0x1FCA;
	s7 =	simm.s32 @p0 $0xA;
	[dreg:$0x10] =	wrdreg s6  }
0x1b: {  	[spmem:s10], [sflag:s1] =	dma.local @p0 [hbm:s8], $0x290  }
0x1c: {  	_ =	swait.ge @p0 [sflag:s7], $0x290  }
0x1d: {  	s8 =	rddreg [dreg:$0x10]  }
0x1e: {  	s10 =	rddreg [dreg:$0x6];
	[sflag:s7] =	ssyncset.done @p0 $0x0  }
0x1f: {  	s9 =	simm.s32 @!p0 $0xA;
	s11 =	rddreg [dreg:$0xf];
	[sflag:s7] =	ssyncadd.s32 @p0 $0xFFFFFD70  }
0x20: {  	[spmem:s8], [sflag:s11] =	dma.local @!p0 [hbm:s10], $0x400  }
0x21: {  	_ =	swait.ge @!p0 [sflag:s9], $0x400  }
0x22: {  	[sflag:s9] =	ssyncset.done @!p0 $0x0  }
0x23: {  	s8 =	simm.s32 $0x9;
	[sflag:s9] =	ssyncadd.s32 @!p0 $0xFFFFFC00  }
0x24: {  	_ =	swait.ge [sflag:s8], $0x200  }
0x25: {  	[sflag:s8] =	ssyncset.done $0x0  }
0x26: {  	s10 =	simm.s32 $0x40;
	s11 =	simm.s32 $0x200;
	[sflag:s8] =	ssyncadd.s32 $0xFFFFFE00  }
0x27: {  	[tilespmem:s11], [sflag:$0x1] =	stream.indirect.gather [hbm4b:s2+s10], $0x80, s4, s10, $0xb8;
	[tilespmem:$0x12148] =	vst v63  }
0x28: {  	s12 =	simm.s32 $0x2200;
	[bflag:$0x0] =	sbarrier.arrive $0xFFFF  }
0x29: {  	[tilespmem:s12], [sflag:$0x2] =	stream.indirect.gather [spmem:s3], $0x80, s10, s10, $0xb8;
	[tilespmem:$0x12148] =	vst v63  }
0x2a: {  	s13 =	simm.s32 $0x4200;
	s14 =	rddreg [dreg:$0x12]  }
0x2b: {  	[tilespmem:s13], [sflag:$0x3] =	stream.indirect.gather [spmem:s3], $0x80, s14, s10, $0xb8;
	[tilespmem:$0x12148] =	vst v63  }
0x2c: {  	s15 =	rddreg [dreg:$0x13];
	s14 =	simm.s32 $0x6200  }
0x2d: {  	[tilespmem:s14], [sflag:$0x4] =	stream.indirect.gather [spmem:s3], $0x80, s15, s10, $0xb8;
	[tilespmem:$0x12148] =	vst v63  }
0x2e: {  	s16 =	simm.s32 $0x8200;
	s15 =	simm.s32 $0x100  }
0x2f: {  	[tilespmem:s16], [sflag:$0x5] =	stream.indirect.gather [spmem:s3], $0x80, s15, s10, $0xb8;
	[tilespmem:$0x12148] =	vst v63  }
0x30: {  	s17 =	simm.s32 $0x140;
	s18 =	simm.s32 $0xA200  }
0x31: {  	[tilespmem:s18], [sflag:$0x6] =	stream.indirect.gather [spmem:s3], $0x80, s17, s10, $0xb8;
	[tilespmem:$0x12148] =	vst v63  }
0x32: {  	s19 =	simm.s32 $0x180;
	s20 =	simm.s32 $0xC200  }
0x33: {  	[tilespmem:s20], [sflag:$0x7] =	stream.indirect.gather [spmem:s3], $0x80, s19, s10, $0xb8;
	[tilespmem:$0x12148] =	vst v63  }
0x34: {  	s21 =	simm.s32 $0x1C0;
	s22 =	simm.s32 $0xE200;
	s23 =	simm.s32 $0x2  }
0x35: {  	[tilespmem:s22], [sflag:$0x8] =	stream.indirect.gather [spmem:s3], $0x80, s21, s10, $0xb8;
	[tilespmem:$0x12148] =	vst v63  }
0x36: {  	_ =	swait.ge [sflag:s23], $0x2000  }
0x37: {  	[sflag:s23] =	ssyncset.done $0x0  }
0x38: {  	s24 =	rddreg [dreg:$0x8];
	[sflag:s23] =	ssyncadd.s32 $0xFFFFE000  }
0x39: {  	[hbm4b:s24+s4] =	stream.linear.scatter [tilespmem:s12], [sflag:$0x9], $0x2000, $0x38;
	[tilespmem:$0x12148] =	vst v63  }
0x3a: {  	s24 =	simm.s32 $0x3  }
0x3b: {  	_ =	swait.ge [sflag:s24], $0x2000  }
0x3c: {  	[sflag:s24] =	ssyncset.done $0x0  }
0x3d: {  	s25 =	rddreg [dreg:$0x9];
	[sflag:s24] =	ssyncadd.s32 $0xFFFFE000  }
0x3e: {  	[hbm4b:s25+s4] =	stream.linear.scatter [tilespmem:s13], [sflag:$0x9], $0x2000, $0x38;
	[tilespmem:$0x12148] =	vst v63  }
0x3f: {  	s25 =	simm.s32 $0x4  }
0x40: {  	_ =	swait.ge [sflag:s25], $0x2000  }
0x41: {  	[sflag:s25] =	ssyncset.done $0x0  }
0x42: {  	s26 =	rddreg [dreg:$0xa];
	[sflag:s25] =	ssyncadd.s32 $0xFFFFE000  }
0x43: {  	[hbm4b:s26+s4] =	stream.linear.scatter [tilespmem:s14], [sflag:$0x9], $0x2000, $0x38;
	[tilespmem:$0x12148] =	vst v63  }
0x44: {  	s26 =	simm.s32 $0x5  }
0x45: {  	_ =	swait.ge [sflag:s26], $0x2000  }
0x46: {  	[sflag:s26] =	ssyncset.done $0x0  }
0x47: {  	s28 =	rddreg [dreg:$0xb];
	[sflag:s26] =	ssyncadd.s32 $0xFFFFE000  }
0x48: {  	[hbm4b:s28+s4] =	stream.linear.scatter [tilespmem:s16], [sflag:$0x9], $0x2000, $0x38;
	[tilespmem:$0x12148] =	vst v63  }
0x49: {  	s28 =	simm.s32 $0x6  }
0x4a: {  	_ =	swait.ge [sflag:s28], $0x2000  }
0x4b: {  	[sflag:s28] =	ssyncset.done $0x0  }
0x4c: {  	s29 =	rddreg [dreg:$0xc];
	[sflag:s28] =	ssyncadd.s32 $0xFFFFE000  }
0x4d: {  	[hbm4b:s29+s4] =	stream.linear.scatter [tilespmem:s18], [sflag:$0x9], $0x2000, $0x38;
	[tilespmem:$0x12148] =	vst v63  }
0x4e: {  	s29 =	simm.s32 $0x7  }
0x4f: {  	_ =	swait.ge [sflag:s29], $0x2000  }
0x50: {  	[sflag:s29] =	ssyncset.done $0x0  }
0x51: {  	s30 =	rddreg [dreg:$0xd];
	[sflag:s29] =	ssyncadd.s32 $0xFFFFE000  }
0x52: {  	[hbm4b:s30+s4] =	stream.linear.scatter [tilespmem:s20], [sflag:$0x9], $0x2000, $0x38;
	[tilespmem:$0x12148] =	vst v63  }
0x53: {  	s30 =	simm.s32 $0x8  }
0x54: {  	_ =	swait.ge [sflag:s30], $0x2000  }
0x55: {  	[sflag:s30] =	ssyncset.done $0x0  }
0x56: {  	s31 =	rddreg [dreg:$0xe];
	[sflag:s30] =	ssyncadd.s32 $0xFFFFE000  }
0x57: {  	[hbm4b:s31+s4] =	stream.linear.scatter [tilespmem:s22], [sflag:$0x9], $0x2000, $0x38;
	[tilespmem:$0x12148] =	vst v63  }
0x58: {  	s31 =	simm.s32 $0x1  }
0x59: {  	_ =	swait.ge [sflag:s31], $0x2000  }
0x5a: {  	[sflag:s31] =	ssyncset.done $0x0  }
0x5b: {  	[sflag:s31] =	ssyncadd.s32 $0xFFFFE000  }
0x5c: {  	[hbm4b:s5+s4] =	stream.linear.scatter [tilespmem:s11], [sflag:$0x9], $0x2000, $0x38;
	[tilespmem:$0x12148] =	vst v63  }
0x5d: {  	_ =	swait.ge [sflag:s8], $0x2000  }
0x5e: {  	[sflag:s8] =	ssyncset.done $0x0  }
0x5f: {  	[sflag:s8] =	ssyncadd.s32 $0xFFFFE000  }
0x60: {  	_ =	swait.ge [sflag:s8], $0x2000  }
0x61: {  	[sflag:s8] =	ssyncset.done $0x0  }
0x62: {  	[sflag:s8] =	ssyncadd.s32 $0xFFFFE000  }
0x63: {  	_ =	swait.ge [sflag:s8], $0x2000  }
0x64: {  	[sflag:s8] =	ssyncset.done $0x0  }
0x65: {  	[sflag:s8] =	ssyncadd.s32 $0xFFFFE000  }
0x66: {  	s0 =	ssub.s32 $0x2, s0;
	_ =	swait.ge [sflag:s8], $0x2000  }
0x67: {  	s6 =	sshrl.u32 s0, $0x1;
	[sflag:s8] =	ssyncset.done $0x0  }
0x68: {  	s0 =	ssub.s32 s0, s6;
	[sflag:s8] =	ssyncadd.s32 $0xFFFFE000  }
0x69: {  	s0 =	smax.u32 s0, $0x1;
	_ =	swait.ge [sflag:s8], $0x2000  }
0x6a: {  	s0 =	sadd.s32 $0xFFFFFFFF, s0;
	[sflag:s8] =	ssyncset.done $0x0  }
0x6b: {  	p1 =	sne.s32 s0, $0x0;
	[sflag:s8] =	ssyncadd.s32 $0xFFFFE000  }
.Ltmp0:
0x6c: {  	_ =	swait.ge [sflag:s8], $0x2000;
	(pc) =	sbr.rel @!p1 .LBB2_2-.Ltmp0, $4  }
0x6d: {  	[sflag:s8] =	ssyncset.done $0x0  }
0x6e: {  	[sflag:s8] =	ssyncadd.s32 $0xFFFFE000  }
0x6f: {  	_ =	swait.ge [sflag:s8], $0x2000  }
0x70: {  	[sflag:s8] =	ssyncset.done $0x0  }
.LBB2_1:
0x71: {  	[sflag:s8] =	ssyncadd.s32 $0xFFFFE000  }
0x72: {  	_ =	swait.ge [sflag:s8], $0x2000  }
0x73: {  	s1 =	rddreg [dreg:$0x7];
	[sflag:s8] =	ssyncset.done $0x0  }
0x74: {  	s2 =	rddreg [dreg:$0x5];
	[sflag:s8] =	ssyncadd.s32 $0xFFFFE000  }
0x75: {  	[tilespmem:s4], [sflag:$0x9] =	stream.linear.gather [hbm4b:s2+s4], $0x200, $0x38;
	[tilespmem:$0x12148] =	vst v63  }
0x76: {  	s6 =	rddreg [dreg:$0x11];
	s2 =	simm.s32 @p0 $0x1FCA  }
0x77: {  	[spmem:s6], [sflag:s2] =	dma.local @p0 [hbm:s1], $0x290  }
0x78: {  	_ =	swait.ge @p0 [sflag:s7], $0x290  }
0x79: {  	s1 =	rddreg [dreg:$0x10]  }
0x7a: {  	[sflag:s7] =	ssyncset.done @p0 $0x0;
	s2 =	rddreg [dreg:$0x6]  }
0x7b: {  	s6 =	rddreg [dreg:$0xf];
	[sflag:s7] =	ssyncadd.s32 @p0 $0xFFFFFD70  }
0x7c: {  	[spmem:s1], [sflag:s6] =	dma.local @!p0 [hbm:s2], $0x400  }
0x7d: {  	_ =	swait.ge @!p0 [sflag:s9], $0x400  }
0x7e: {  	[sflag:s9] =	ssyncset.done @!p0 $0x0  }
0x7f: {  	[sflag:s9] =	ssyncadd.s32 @!p0 $0xFFFFFC00  }
0x80: {  	_ =	swait.ge [sflag:s8], $0x200  }
0x81: {  	[sflag:s8] =	ssyncset.done $0x0  }
0x82: {  	[sflag:s8] =	ssyncadd.s32 $0xFFFFFE00  }
0x83: {  	s6 =	rddreg [dreg:$0x1]  }
0x84: {  	[tilespmem:s11], [sflag:$0x1] =	stream.indirect.gather [hbm4b:s6+s10], $0x80, s4, s10, $0xb8;
	[tilespmem:$0x12148] =	vst v63  }
0x85: {  	[bflag:$0x0] =	sbarrier.arrive $0xFFFF  }
0x86: {  	[tilespmem:s12], [sflag:$0x2] =	stream.indirect.gather [spmem:s3], $0x80, s10, s10, $0xb8;
	[tilespmem:$0x12148] =	vst v63  }
0x87: {  	s2 =	rddreg [dreg:$0x12]  }
0x88: {  	[tilespmem:s13], [sflag:$0x3] =	stream.indirect.gather [spmem:s3], $0x80, s2, s10, $0xb8;
	[tilespmem:$0x12148] =	vst v63  }
0x89: {  	s6 =	rddreg [dreg:$0x13]  }
0x8a: {  	[tilespmem:s14], [sflag:$0x4] =	stream.indirect.gather [spmem:s3], $0x80, s6, s10, $0xb8;
	[tilespmem:$0x12148] =	vst v63  }
0x8b: {  	_ = 	snop  }
0x8c: {  	[tilespmem:s16], [sflag:$0x5] =	stream.indirect.gather [spmem:s3], $0x80, s15, s10, $0xb8;
	[tilespmem:$0x12148] =	vst v63  }
0x8d: {  	_ = 	snop  }
0x8e: {  	[tilespmem:s18], [sflag:$0x6] =	stream.indirect.gather [spmem:s3], $0x80, s17, s10, $0xb8;
	[tilespmem:$0x12148] =	vst v63  }
0x8f: {  	_ = 	snop  }
0x90: {  	[tilespmem:s20], [sflag:$0x7] =	stream.indirect.gather [spmem:s3], $0x80, s19, s10, $0xb8;
	[tilespmem:$0x12148] =	vst v63  }
0x91: {  	_ = 	snop  }
0x92: {  	[tilespmem:s22], [sflag:$0x8] =	stream.indirect.gather [spmem:s3], $0x80, s21, s10, $0xb8;
	[tilespmem:$0x12148] =	vst v63  }
0x93: {  	_ =	swait.ge [sflag:s23], $0x2000  }
0x94: {  	[sflag:s23] =	ssyncset.done $0x0  }
0x95: {  	s6 =	rddreg [dreg:$0x8];
	[sflag:s23] =	ssyncadd.s32 $0xFFFFE000  }
0x96: {  	[hbm4b:s6+s4] =	stream.linear.scatter [tilespmem:s12], [sflag:$0x9], $0x2000, $0x38;
	[tilespmem:$0x12148] =	vst v63  }
0x97: {  	_ =	swait.ge [sflag:s24], $0x2000  }
0x98: {  	[sflag:s24] =	ssyncset.done $0x0  }
0x99: {  	s2 =	rddreg [dreg:$0x9];
	[sflag:s24] =	ssyncadd.s32 $0xFFFFE000  }
0x9a: {  	[hbm4b:s2+s4] =	stream.linear.scatter [tilespmem:s13], [sflag:$0x9], $0x2000, $0x38;
	[tilespmem:$0x12148] =	vst v63  }
0x9b: {  	_ =	swait.ge [sflag:s25], $0x2000  }
0x9c: {  	[sflag:s25] =	ssyncset.done $0x0  }
0x9d: {  	s6 =	rddreg [dreg:$0xa];
	[sflag:s25] =	ssyncadd.s32 $0xFFFFE000  }
0x9e: {  	[hbm4b:s6+s4] =	stream.linear.scatter [tilespmem:s14], [sflag:$0x9], $0x2000, $0x38;
	[tilespmem:$0x12148] =	vst v63  }
0x9f: {  	_ =	swait.ge [sflag:s26], $0x2000  }
0xa0: {  	[sflag:s26] =	ssyncset.done $0x0  }
0xa1: {  	s2 =	rddreg [dreg:$0xb];
	[sflag:s26] =	ssyncadd.s32 $0xFFFFE000  }
0xa2: {  	[hbm4b:s2+s4] =	stream.linear.scatter [tilespmem:s16], [sflag:$0x9], $0x2000, $0x38;
	[tilespmem:$0x12148] =	vst v63  }
0xa3: {  	_ =	swait.ge [sflag:s28], $0x2000  }
0xa4: {  	[sflag:s28] =	ssyncset.done $0x0  }
0xa5: {  	s6 =	rddreg [dreg:$0xc];
	[sflag:s28] =	ssyncadd.s32 $0xFFFFE000  }
0xa6: {  	[hbm4b:s6+s4] =	stream.linear.scatter [tilespmem:s18], [sflag:$0x9], $0x2000, $0x38;
	[tilespmem:$0x12148] =	vst v63  }
0xa7: {  	_ =	swait.ge [sflag:s29], $0x2000  }
0xa8: {  	[sflag:s29] =	ssyncset.done $0x0  }
0xa9: {  	s2 =	rddreg [dreg:$0xd];
	[sflag:s29] =	ssyncadd.s32 $0xFFFFE000  }
0xaa: {  	[hbm4b:s2+s4] =	stream.linear.scatter [tilespmem:s20], [sflag:$0x9], $0x2000, $0x38;
	[tilespmem:$0x12148] =	vst v63  }
0xab: {  	_ =	swait.ge [sflag:s30], $0x2000  }
0xac: {  	[sflag:s30] =	ssyncset.done $0x0  }
0xad: {  	s6 =	rddreg [dreg:$0xe];
	[sflag:s30] =	ssyncadd.s32 $0xFFFFE000  }
0xae: {  	[hbm4b:s6+s4] =	stream.linear.scatter [tilespmem:s22], [sflag:$0x9], $0x2000, $0x38;
	[tilespmem:$0x12148] =	vst v63  }
0xaf: {  	_ =	swait.ge [sflag:s31], $0x2000  }
0xb0: {  	[sflag:s31] =	ssyncset.done $0x0  }
0xb1: {  	[sflag:s31] =	ssyncadd.s32 $0xFFFFE000  }
0xb2: {  	[hbm4b:s5+s4] =	stream.linear.scatter [tilespmem:s11], [sflag:$0x9], $0x2000, $0x38;
	[tilespmem:$0x12148] =	vst v63  }
0xb3: {  	_ =	swait.ge [sflag:s8], $0x2000  }
0xb4: {  	[sflag:s8] =	ssyncset.done $0x0  }
0xb5: {  	[sflag:s8] =	ssyncadd.s32 $0xFFFFE000  }
0xb6: {  	_ =	swait.ge [sflag:s8], $0x2000  }
0xb7: {  	[sflag:s8] =	ssyncset.done $0x0  }
0xb8: {  	[sflag:s8] =	ssyncadd.s32 $0xFFFFE000  }
0xb9: {  	_ =	swait.ge [sflag:s8], $0x2000  }
0xba: {  	[sflag:s8] =	ssyncset.done $0x0  }
0xbb: {  	[sflag:s8] =	ssyncadd.s32 $0xFFFFE000  }
0xbc: {  	_ =	swait.ge [sflag:s8], $0x2000  }
0xbd: {  	[sflag:s8] =	ssyncset.done $0x0  }
0xbe: {  	[sflag:s8] =	ssyncadd.s32 $0xFFFFE000  }
0xbf: {  	_ =	swait.ge [sflag:s8], $0x2000  }
0xc0: {  	s0 =	sadd.s32 $0xFFFFFFFF, s0;
	[sflag:s8] =	ssyncset.done $0x0  }
0xc1: {  	p1 =	sne.s32 s0, $0x0;
	[sflag:s8] =	ssyncadd.s32 $0xFFFFE000  }
.Ltmp1:
0xc2: {  	_ =	swait.ge [sflag:s8], $0x2000;
	(pc) =	sbr.rel @p1 .LBB2_1-.Ltmp1, $4  }
0xc3: {  	[sflag:s8] =	ssyncset.done $0x0  }
0xc4: {  	[sflag:s8] =	ssyncadd.s32 $0xFFFFE000  }
0xc5: {  	_ =	swait.ge [sflag:s8], $0x2000  }
0xc6: {  	[sflag:s8] =	ssyncset.done $0x0  }
.LBB2_2:
0xc7: {  	[sflag:s8] =	ssyncadd.s32 $0xFFFFE000  }
0xc8: {  	_ =	swait.ge [sflag:s8], $0x2000  }
0xc9: {  	[sflag:s8] =	ssyncset.done $0x0  }
0xca: {  	[sflag:s8] =	ssyncadd.s32 $0xFFFFE000  }
0xcb: {  	_ =	sfence.sel $0x180000  }
0xcc: {  	[bflag:$0x0] =	sbarrier.arrive $0xFFFF  }
0xcd: {  	_ =	strace $0x90000047  }
0xce: {  	s0 =	stileid.u32;
	[bflag:$0x2] =	sbarrier.arrive $0xFFFF  }
0xcf: {  	p0 =	sne.s32 s0, $0x0;
	s0 =	rddreg [dreg:$0x4]  }
0xd0: {  	s0 =	sadd.s32 @!p0 $0x100000, s0  }
0xd1: {  	[sflag:s0] =	ssyncadd.tile.s32 @!p0 $0x1;
	_ =	shalt  }
.Lfunc_end2:
_tile_overlayer_lowered:
.L_overlay_start_2:
0xd2: {  	(tag) =	ssettag $0x2  }
0xd3: {  	s0 =	rddreg [dreg:$0x0];
	s2 =	stileid.u32  }
0xd4: {  	s1 =	rddreg [dreg:$0x1];
	p0 =	sne.s32 s2, $0x0  }
0xd5: {  	s3 =	rddreg [dreg:$0x2];
	[bflag:$0x3] =	sbarrier.arrive $0xFFFF;
	s2 =	simm.s32 @!p0 $0x1C0A  }
0xd6: {  	[timem:s3], [sflag:s2] =	dma.local @!p0 [hbm:s0], s1  }
0xd7: {  	s0 =	simm.s32 @!p0 $0xA  }
0xd8: {  	_ =	swait.ge @!p0 [sflag:s0], s1  }
0xd9: {  	s1 =	ssub.s32 @!p0 $0x0, s1;
	[sflag:s0] =	ssyncset.done @!p0 $0x0  }
0xda: {  	[sflag:s0] =	ssyncadd.s32 @!p0 s1  }
0xdb: {  	[bflag:$0x3] =	sbarrier.arrive $0xFFFF  }
0xdc: {  	_ =	shalt  }

</sc_bundles>
